<compile_context>
chip_gen: v7x
topology: tpu7x:2x2x1
jax: 0.10.2.dev20260603
libtpu: 0.0.44.dev20260713+nightly
codegen_flags: <defaults>
</compile_context>

<pallas_src>
import functools

import jax
import jax.numpy as jnp
from jax import lax
from jax.experimental import pallas as pl
from jax.experimental.pallas import tpu as pltpu
from jax.experimental.pallas import tpu_sc as plsc

N = 10000
E = 320000
D_IN = 128
D_HID = 128
D_OUT = 64

NC = 2
NS = 16
NW = NC * NS
ZB = 128
E_PAD = 327680
EW = E_PAD // NW
N_PAD = 10240
RT = N_PAD // NS
DUMMY = N

_mesh = functools.partial(
    plsc.VectorSubcoreMesh, core_axis_name="c", subcore_axis_name="s"
)


def _make_deg_kernel():

    @functools.partial(
        pl.kernel,
        out_type=jax.ShapeDtypeStruct((NC, N_PAD, 16), jnp.float32),
        mesh=_mesh(),
        scratch_types=[
            pltpu.VMEM((EW // 512, 512), jnp.int32),
            pltpu.VMEM((512, 16), jnp.float32),
            pltpu.VMEM_SHARED((N_PAD, 16), jnp.float32),
        ],
        compiler_params=pltpu.CompilerParams(use_tc_tiling_on_sc=False),
    )
    def deg_kernel(dstg_hbm, ones_hbm, zeros_hbm, out_hbm, dst_v, ones_v, acc_sh):
        c = lax.axis_index("c")
        s = lax.axis_index("s")
        wid = s * NC + c
        rows = pl.ds(s * RT, RT)
        for z in range(RT // ZB):
            pltpu.sync_copy(zeros_hbm, acc_sh.at[pl.ds(s * RT + z * ZB, ZB)])
        pltpu.sync_copy(dstg_hbm.at[wid], dst_v)
        pltpu.sync_copy(ones_hbm, ones_v)
        plsc.subcore_barrier()

        def body(g, carry):
            pltpu.sync_copy(ones_v, acc_sh.at[dst_v.at[g]], add=True)
            return carry

        lax.fori_loop(0, EW // 512, body, 0)
        plsc.subcore_barrier()
        pltpu.sync_copy(acc_sh.at[rows], out_hbm.at[c].at[rows])

    return deg_kernel


def _make_scatter_kernel(d, k, halves):
    S = 128 * k
    C = EW // S
    CH = C // halves

    @functools.partial(
        pl.kernel,
        out_type=jax.ShapeDtypeStruct((NC, N_PAD, d), jnp.float32),
        mesh=_mesh(),
        scratch_types=[
            pltpu.VMEM((CH, S), jnp.int32),
            pltpu.VMEM((CH, S), jnp.int32),
            pltpu.VMEM((S, d), jnp.float32),
            pltpu.VMEM_SHARED((N_PAD, d), jnp.float32),
            pltpu.SemaphoreType.DMA,
        ],
        compiler_params=pltpu.CompilerParams(use_tc_tiling_on_sc=False),
    )
    def scatter_kernel(
        y_hbm, srcg_hbm, dstg_hbm, zeros_hbm, out_hbm,
        src_v, dst_v, buf, acc_sh, sem,
    ):
        c = lax.axis_index("c")
        s = lax.axis_index("s")
        wid = s * NC + c
        rows = pl.ds(s * RT, RT)
        for z in range(RT // ZB):
            pltpu.sync_copy(zeros_hbm, acc_sh.at[pl.ds(s * RT + z * ZB, ZB)])
        plsc.subcore_barrier()

        for h in range(halves):
            pltpu.sync_copy(srcg_hbm.at[wid].at[pl.ds(h * CH, CH)], src_v)
            pltpu.sync_copy(dstg_hbm.at[wid].at[pl.ds(h * CH, CH)], dst_v)

            def body(cc, carry):
                pltpu.async_copy(y_hbm.at[src_v.at[cc]], buf, sem).wait()
                pltpu.sync_copy(buf, acc_sh.at[dst_v.at[cc]], add=True)
                return carry

            lax.fori_loop(0, CH, body, 0)
        plsc.subcore_barrier()
        pltpu.sync_copy(acc_sh.at[rows], out_hbm.at[c].at[rows])

    return scatter_kernel


def _make_scatter_staged(d, S, C):
    NY = 10016

    @functools.partial(
        pl.kernel,
        out_type=jax.ShapeDtypeStruct((NC, N_PAD, d), jnp.float32),
        mesh=_mesh(),
        scratch_types=[
            pltpu.VMEM((C, S), jnp.int32),
            pltpu.VMEM((C, S), jnp.int32),
            pltpu.VMEM((S, d), jnp.float32),
            pltpu.VMEM_SHARED((NY, d), jnp.float32),
            pltpu.VMEM_SHARED((N_PAD, d), jnp.float32),
            pltpu.SemaphoreType.DMA,
        ],
        compiler_params=pltpu.CompilerParams(use_tc_tiling_on_sc=False),
    )
    def scatter_kernel(
        y_hbm, srcg_hbm, dstg_hbm, zeros_hbm, out_hbm,
        src_v, dst_v, buf, y_sh, acc_sh, sem,
    ):
        c = lax.axis_index("c")
        s = lax.axis_index("s")
        wid = s * NC + c
        rows = pl.ds(s * RT, RT)
        for z in range(RT // ZB):
            pltpu.sync_copy(zeros_hbm, acc_sh.at[pl.ds(s * RT + z * ZB, ZB)])
        pltpu.sync_copy(y_hbm.at[pl.ds(s * 624, 624)], y_sh.at[pl.ds(s * 624, 624)])

        @pl.when(s == 0)
        def _():
            pltpu.sync_copy(y_hbm.at[pl.ds(9984, N - 9984)], y_sh.at[pl.ds(9984, N - 9984)])

        pltpu.sync_copy(srcg_hbm.at[wid], src_v)
        pltpu.sync_copy(dstg_hbm.at[wid], dst_v)
        plsc.subcore_barrier()

        def body(cc, carry):
            pltpu.async_copy(y_sh.at[src_v.at[cc]], buf, sem).wait()
            pltpu.sync_copy(buf, acc_sh.at[dst_v.at[cc]], add=True)
            return carry

        lax.fori_loop(0, C, body, 0)
        plsc.subcore_barrier()
        pltpu.sync_copy(acc_sh.at[rows], out_hbm.at[c].at[rows])

    return scatter_kernel


_deg = _make_deg_kernel()
_scatter_hid = _make_scatter_kernel(D_HID, k=2, halves=2)
_scatter_out = _make_scatter_staged(D_OUT, S=256, C=EW // 256)


R = 1000
GRID = N // R


def _dinv_block(degp):
    deg = degp[0, :, 0:1] + degp[1, :, 0:1] + 1.0
    return lax.rsqrt(deg)


def _t1_body(x_b, w_b, degp_b, y_b):
    dinv = _dinv_block(degp_b)
    h = jnp.dot(x_b[...], w_b[...], preferred_element_type=jnp.float32)
    y_b[...] = h * dinv


def _t2_body(zp_b, y1_b, b1_b, w2_b, degp_b, y2_b):
    dinv = _dinv_block(degp_b)
    pre = (zp_b[0] + zp_b[1] + y1_b[...]) * dinv + b1_b[...]
    h = jnp.maximum(pre, 0.0)
    y2_b[...] = jnp.dot(h, w2_b[...], preferred_element_type=jnp.float32) * dinv


def _t3_body(zp_b, y2_b, b2_b, degp_b, mu_b):
    dinv = _dinv_block(degp_b)
    mu_b[...] = (zp_b[0] + zp_b[1] + y2_b[...]) * dinv + b2_b[...]


def _row_spec(d):
    return pl.BlockSpec((R, d), lambda i: (i, 0))


def _part_spec(d):
    return pl.BlockSpec((NC, R, d), lambda i: (0, i, 0))


_full = lambda shape: pl.BlockSpec(shape, lambda i: tuple(0 for _ in shape))

_t1 = pl.pallas_call(
    _t1_body,
    grid=(GRID,),
    in_specs=[_row_spec(D_IN), _full((D_IN, D_HID)), _part_spec(16)],
    out_specs=_row_spec(D_HID),
    out_shape=jax.ShapeDtypeStruct((N, D_HID), jnp.float32),
)

_t2 = pl.pallas_call(
    _t2_body,
    grid=(GRID,),
    in_specs=[
        _part_spec(D_HID),
        _row_spec(D_HID),
        _full((1, D_HID)),
        _full((D_HID, D_OUT)),
        _part_spec(16),
    ],
    out_specs=_row_spec(D_OUT),
    out_shape=jax.ShapeDtypeStruct((N, D_OUT), jnp.float32),
)

_t3 = pl.pallas_call(
    _t3_body,
    grid=(GRID,),
    in_specs=[_part_spec(D_OUT), _row_spec(D_OUT), _full((1, D_OUT)), _part_spec(16)],
    out_specs=_row_spec(D_OUT),
    out_shape=jax.ShapeDtypeStruct((N, D_OUT), jnp.float32),
)


@jax.jit
def _run(x, edge_index, W1, b1, W2, b2):
    src = edge_index[0]
    dst = edge_index[1]
    pad = E_PAD - E
    srcf = jnp.concatenate([src, jnp.zeros((pad,), jnp.int32)])
    dstf = jnp.concatenate([dst, jnp.full((pad,), DUMMY, jnp.int32)])
    src2 = srcf.reshape(NW, EW // 256, 256)
    dst2 = dstf.reshape(NW, EW // 256, 256)
    src4 = srcf.reshape(NW, EW // 512, 512)
    dst4 = dstf.reshape(NW, EW // 512, 512)

    ones16 = jnp.ones((512, 16), jnp.float32)
    zeros16 = jnp.zeros((ZB, 16), jnp.float32)
    zeros_hid = jnp.zeros((ZB, D_HID), jnp.float32)
    zeros_out = jnp.zeros((ZB, D_OUT), jnp.float32)

    degp = _deg(dst4, ones16, zeros16)
    y1 = _t1(x, W1, degp)
    z1p = _scatter_hid(y1, src2, dst2, zeros_hid)
    y2 = _t2(z1p, y1, b1.reshape(1, D_HID), W2, degp)
    z2p = _scatter_out(y2, src2, dst2, zeros_out)
    mu = _t3(z2p, y2, b2.reshape(1, D_OUT), degp)
    return mu


def kernel(x, edge_index, W1, b1, W2, b2):
    return _run(x, edge_index, W1, b1, W2, b2)

# --- scband reference (transcript-rebuilt; emitter-appended) ---
"""Pipeline reference for scband-encoder-48550310314044 (READ-ONLY COPY).

The authoritative reference and input builder live on the scoring server;
editing this copy changes nothing except your own understanding.
"""

import jax, jax.numpy as jnp
import numpy as np


def gcn_conv(x, edge_index, W, b):
    # Faithful PyG GCNConv: add self-loops, symmetric normalization, linear, scatter-add, bias.
    n = x.shape[0]
    src = edge_index[0]
    dst = edge_index[1]
    loop = jnp.arange(n, dtype=edge_index.dtype)
    src = jnp.concatenate([src, loop])
    dst = jnp.concatenate([dst, loop])
    ones = jnp.ones(src.shape[0], dtype=x.dtype)
    deg = jax.ops.segment_sum(ones, dst, num_segments=n)
    deg_inv_sqrt = jnp.where(deg > 0, jax.lax.rsqrt(jnp.maximum(deg, 1e-12)), 0.0)
    norm = deg_inv_sqrt[src] * deg_inv_sqrt[dst]
    h = x @ W
    msg = h[src] * norm[:, None]
    out = jax.ops.segment_sum(msg, dst, num_segments=n)
    return out + b


def setup_inputs(seed: int = 0) -> dict:
    key = jax.random.key(seed)
    ks = jax.random.split(key, 6)
    n, e = 10000, 320000
    d_in, d_hid, d_out = 128, 128, 64
    x = jax.random.normal(ks[0], (n, d_in), dtype=jnp.float32)
    edge_index = jax.random.randint(ks[1], (2, e), 0, n, dtype=jnp.int32)
    W1 = jax.random.normal(ks[2], (d_in, d_hid), dtype=jnp.float32) * (1.0 / np.sqrt(d_in))
    b1 = jnp.zeros((d_hid,), dtype=jnp.float32)
    W2 = jax.random.normal(ks[3], (d_hid, d_out), dtype=jnp.float32) * (1.0 / np.sqrt(d_hid))
    b2 = jnp.zeros((d_out,), dtype=jnp.float32)
    return {"x": x, "edge_index": edge_index, "W1": W1, "b1": b1, "W2": W2, "b2": b2}


def reference(x, edge_index, W1, b1, W2, b2):
    h = jax.nn.relu(gcn_conv(x, edge_index, W1, b1))
    mu = gcn_conv(h, edge_index, W2, b2)
    return mu

if __name__ == "__main__":
    import jax
    _d = setup_inputs()
    print(jax.jit(kernel)(*tuple(_d.values())))

</pallas_src>

<mosaic_0001>
#map = affine_map<(d0, d1) -> (0, 0)>
#map1 = affine_map<(d0, d1) -> (0, 0, 0)>
module attributes {stable_mosaic.version = 14 : i64} {
  func.func @scatter_kernel(%arg0: i32, %arg1: i32, %arg2: memref<10000x64xf32, #tpu.memory_space<hbm>>, %arg3: memref<32x40x256xi32, #tpu.memory_space<hbm>>, %arg4: memref<32x40x256xi32, #tpu.memory_space<hbm>>, %arg5: memref<128x64xf32, #tpu.memory_space<hbm>>, %arg6: memref<2x10240x64xf32, #tpu.memory_space<hbm>>, %arg7: memref<40x256xi32, #tpu.memory_space<vmem>>, %arg8: memref<40x256xi32, #tpu.memory_space<vmem>>, %arg9: memref<256x64xf32, #tpu.memory_space<vmem>>, %arg10: memref<10016x64xf32, #tpu.memory_space<vmem_shared>>, %arg11: memref<10240x64xf32, #tpu.memory_space<vmem_shared>>, %arg12: memref<!tpu.dma_semaphore, #tpu.memory_space<semaphore_mem>>) attributes {dimension_semantics = [#tpu.dimension_semantics<core_parallel>, #tpu.dimension_semantics<subcore_parallel>], iteration_bounds = array<i64: 2, 16>, scalar_prefetch = 0 : i64, scratch_operands = 6 : i64, tpu.core_type = #tpu.core_type<sc_vector_subcore>, window_params = [{transform_indices = #map}, {transform_indices = #map1}, {transform_indices = #map1}, {transform_indices = #map}, {transform_indices = #map1}]} {
    %mul3A = arith.constant 2 : i32
    %mul3A_0 = arith.muli %arg1, %mul3A : i32
    %add3A = arith.addi %mul3A_0, %arg0 : i32
    %mul3A_1 = arith.constant 640 : i32
    %mul3A_2 = arith.muli %arg1, %mul3A_1 : i32
    %mul3A_3 = arith.constant 640 : i32
    %mul3A_4 = arith.muli %arg1, %mul3A_3 : i32
    %add3A_5 = arith.constant 0 : i32
    %add3A_6 = arith.addi %mul3A_4, %add3A_5 : i32
    "tpu.region"() ({
      %run_scoped3A = tpu.sem_alloc : memref<!tpu.dma_semaphore, #tpu.memory_space<semaphore_mem>>
      %dma_start3A = arith.constant 0 : i32
      %dma_start3A_35 = tpu.memref_slice %arg11[%add3A_6, %dma_start3A] : memref<10240x64xf32, #tpu.memory_space<vmem_shared>> -> memref<128x64xf32, #tpu.memory_space<vmem_shared>>
      tpu.enqueue_dma source(%arg5 : memref<128x64xf32, #tpu.memory_space<hbm>>) target(%dma_start3A_35 : memref<128x64xf32, #tpu.memory_space<vmem_shared>>) target_semaphore(%run_scoped3A : memref<!tpu.dma_semaphore, #tpu.memory_space<semaphore_mem>>)
      %dma_wait3A = arith.constant 0 : i32
      %dma_wait3A_36 = tpu.memref_slice %arg11[%add3A_6, %dma_wait3A] : memref<10240x64xf32, #tpu.memory_space<vmem_shared>> -> memref<128x64xf32, #tpu.memory_space<vmem_shared>>
      tpu.wait_dma2 semaphore(%run_scoped3A : memref<!tpu.dma_semaphore, #tpu.memory_space<semaphore_mem>>) src(%arg5 : memref<128x64xf32, #tpu.memory_space<hbm>>) dst(%dma_wait3A_36 : memref<128x64xf32, #tpu.memory_space<vmem_shared>>)
      tpu.yield
    }) : () -> ()
    %mul3A_7 = arith.constant 640 : i32
    %mul3A_8 = arith.muli %arg1, %mul3A_7 : i32
    %add3A_9 = arith.constant 128 : i32
    %add3A_10 = arith.addi %mul3A_8, %add3A_9 : i32
    "tpu.region"() ({
      %run_scoped3A = tpu.sem_alloc : memref<!tpu.dma_semaphore, #tpu.memory_space<semaphore_mem>>
      %dma_start3A = arith.constant 0 : i32
      %dma_start3A_35 = tpu.memref_slice %arg11[%add3A_10, %dma_start3A] : memref<10240x64xf32, #tpu.memory_space<vmem_shared>> -> memref<128x64xf32, #tpu.memory_space<vmem_shared>>
      tpu.enqueue_dma source(%arg5 : memref<128x64xf32, #tpu.memory_space<hbm>>) target(%dma_start3A_35 : memref<128x64xf32, #tpu.memory_space<vmem_shared>>) target_semaphore(%run_scoped3A : memref<!tpu.dma_semaphore, #tpu.memory_space<semaphore_mem>>)
      %dma_wait3A = arith.constant 0 : i32
      %dma_wait3A_36 = tpu.memref_slice %arg11[%add3A_10, %dma_wait3A] : memref<10240x64xf32, #tpu.memory_space<vmem_shared>> -> memref<128x64xf32, #tpu.memory_space<vmem_shared>>
      tpu.wait_dma2 semaphore(%run_scoped3A : memref<!tpu.dma_semaphore, #tpu.memory_space<semaphore_mem>>) src(%arg5 : memref<128x64xf32, #tpu.memory_space<hbm>>) dst(%dma_wait3A_36 : memref<128x64xf32, #tpu.memory_space<vmem_shared>>)
      tpu.yield
    }) : () -> ()
    %mul3A_11 = arith.constant 640 : i32
    %mul3A_12 = arith.muli %arg1, %mul3A_11 : i32
    %add3A_13 = arith.constant 256 : i32
    %add3A_14 = arith.addi %mul3A_12, %add3A_13 : i32
    "tpu.region"() ({
      %run_scoped3A = tpu.sem_alloc : memref<!tpu.dma_semaphore, #tpu.memory_space<semaphore_mem>>
      %dma_start3A = arith.constant 0 : i32
      %dma_start3A_35 = tpu.memref_slice %arg11[%add3A_14, %dma_start3A] : memref<10240x64xf32, #tpu.memory_space<vmem_shared>> -> memref<128x64xf32, #tpu.memory_space<vmem_shared>>
      tpu.enqueue_dma source(%arg5 : memref<128x64xf32, #tpu.memory_space<hbm>>) target(%dma_start3A_35 : memref<128x64xf32, #tpu.memory_space<vmem_shared>>) target_semaphore(%run_scoped3A : memref<!tpu.dma_semaphore, #tpu.memory_space<semaphore_mem>>)
      %dma_wait3A = arith.constant 0 : i32
      %dma_wait3A_36 = tpu.memref_slice %arg11[%add3A_14, %dma_wait3A] : memref<10240x64xf32, #tpu.memory_space<vmem_shared>> -> memref<128x64xf32, #tpu.memory_space<vmem_shared>>
      tpu.wait_dma2 semaphore(%run_scoped3A : memref<!tpu.dma_semaphore, #tpu.memory_space<semaphore_mem>>) src(%arg5 : memref<128x64xf32, #tpu.memory_space<hbm>>) dst(%dma_wait3A_36 : memref<128x64xf32, #tpu.memory_space<vmem_shared>>)
      tpu.yield
    }) : () -> ()
    %mul3A_15 = arith.constant 640 : i32
    %mul3A_16 = arith.muli %arg1, %mul3A_15 : i32
    %add3A_17 = arith.constant 384 : i32
    %add3A_18 = arith.addi %mul3A_16, %add3A_17 : i32
    "tpu.region"() ({
      %run_scoped3A = tpu.sem_alloc : memref<!tpu.dma_semaphore, #tpu.memory_space<semaphore_mem>>
      %dma_start3A = arith.constant 0 : i32
      %dma_start3A_35 = tpu.memref_slice %arg11[%add3A_18, %dma_start3A] : memref<10240x64xf32, #tpu.memory_space<vmem_shared>> -> memref<128x64xf32, #tpu.memory_space<vmem_shared>>
      tpu.enqueue_dma source(%arg5 : memref<128x64xf32, #tpu.memory_space<hbm>>) target(%dma_start3A_35 : memref<128x64xf32, #tpu.memory_space<vmem_shared>>) target_semaphore(%run_scoped3A : memref<!tpu.dma_semaphore, #tpu.memory_space<semaphore_mem>>)
      %dma_wait3A = arith.constant 0 : i32
      %dma_wait3A_36 = tpu.memref_slice %arg11[%add3A_18, %dma_wait3A] : memref<10240x64xf32, #tpu.memory_space<vmem_shared>> -> memref<128x64xf32, #tpu.memory_space<vmem_shared>>
      tpu.wait_dma2 semaphore(%run_scoped3A : memref<!tpu.dma_semaphore, #tpu.memory_space<semaphore_mem>>) src(%arg5 : memref<128x64xf32, #tpu.memory_space<hbm>>) dst(%dma_wait3A_36 : memref<128x64xf32, #tpu.memory_space<vmem_shared>>)
      tpu.yield
    }) : () -> ()
    %mul3A_19 = arith.constant 640 : i32
    %mul3A_20 = arith.muli %arg1, %mul3A_19 : i32
    %add3A_21 = arith.constant 512 : i32
    %add3A_22 = arith.addi %mul3A_20, %add3A_21 : i32
    "tpu.region"() ({
      %run_scoped3A = tpu.sem_alloc : memref<!tpu.dma_semaphore, #tpu.memory_space<semaphore_mem>>
      %dma_start3A = arith.constant 0 : i32
      %dma_start3A_35 = tpu.memref_slice %arg11[%add3A_22, %dma_start3A] : memref<10240x64xf32, #tpu.memory_space<vmem_shared>> -> memref<128x64xf32, #tpu.memory_space<vmem_shared>>
      tpu.enqueue_dma source(%arg5 : memref<128x64xf32, #tpu.memory_space<hbm>>) target(%dma_start3A_35 : memref<128x64xf32, #tpu.memory_space<vmem_shared>>) target_semaphore(%run_scoped3A : memref<!tpu.dma_semaphore, #tpu.memory_space<semaphore_mem>>)
      %dma_wait3A = arith.constant 0 : i32
      %dma_wait3A_36 = tpu.memref_slice %arg11[%add3A_22, %dma_wait3A] : memref<10240x64xf32, #tpu.memory_space<vmem_shared>> -> memref<128x64xf32, #tpu.memory_space<vmem_shared>>
      tpu.wait_dma2 semaphore(%run_scoped3A : memref<!tpu.dma_semaphore, #tpu.memory_space<semaphore_mem>>) src(%arg5 : memref<128x64xf32, #tpu.memory_space<hbm>>) dst(%dma_wait3A_36 : memref<128x64xf32, #tpu.memory_space<vmem_shared>>)
      tpu.yield
    }) : () -> ()
    %mul3A_23 = arith.constant 624 : i32
    %mul3A_24 = arith.muli %arg1, %mul3A_23 : i32
    %mul3A_25 = arith.constant 624 : i32
    %mul3A_26 = arith.muli %arg1, %mul3A_25 : i32
    "tpu.region"() ({
      %run_scoped3A = tpu.sem_alloc : memref<!tpu.dma_semaphore, #tpu.memory_space<semaphore_mem>>
      %dma_start3A = arith.constant 0 : i32
      %dma_start3A_35 = tpu.memref_slice %arg10[%mul3A_26, %dma_start3A] : memref<10016x64xf32, #tpu.memory_space<vmem_shared>> -> memref<624x64xf32, #tpu.memory_space<vmem_shared>>
      %dma_start3A_36 = arith.constant 0 : i32
      %dma_start3A_37 = tpu.memref_slice %arg2[%mul3A_24, %dma_start3A_36] : memref<10000x64xf32, #tpu.memory_space<hbm>> -> memref<624x64xf32, #tpu.memory_space<hbm>>
      tpu.enqueue_dma source(%dma_start3A_37 : memref<624x64xf32, #tpu.memory_space<hbm>>) target(%dma_start3A_35 : memref<624x64xf32, #tpu.memory_space<vmem_shared>>) target_semaphore(%run_scoped3A : memref<!tpu.dma_semaphore, #tpu.memory_space<semaphore_mem>>)
      %dma_wait3A = arith.constant 0 : i32
      %dma_wait3A_38 = tpu.memref_slice %arg10[%mul3A_26, %dma_wait3A] : memref<10016x64xf32, #tpu.memory_space<vmem_shared>> -> memref<624x64xf32, #tpu.memory_space<vmem_shared>>
      %dma_wait3A_39 = arith.constant 0 : i32
      %dma_wait3A_40 = tpu.memref_slice %arg2[%mul3A_24, %dma_wait3A_39] : memref<10000x64xf32, #tpu.memory_space<hbm>> -> memref<624x64xf32, #tpu.memory_space<hbm>>
      tpu.wait_dma2 semaphore(%run_scoped3A : memref<!tpu.dma_semaphore, #tpu.memory_space<semaphore_mem>>) src(%dma_wait3A_40 : memref<624x64xf32, #tpu.memory_space<hbm>>) dst(%dma_wait3A_38 : memref<624x64xf32, #tpu.memory_space<vmem_shared>>)
      tpu.yield
    }) : () -> ()
    %eq3A = arith.constant 0 : i32
    %eq3A_27 = arith.cmpi eq, %arg1, %eq3A : i32
    %convert_element_type3A = arith.extui %eq3A_27 : i1 to i32
    %cond3A = arith.constant 0 : i32
    %cond3A_28 = arith.cmpi ne, %convert_element_type3A, %cond3A : i32
    scf.if %cond3A_28 {
      "tpu.region"() ({
        %run_scoped3A = tpu.sem_alloc : memref<!tpu.dma_semaphore, #tpu.memory_space<semaphore_mem>>
        %dma_start3A = arith.constant 9984 : i32
        %dma_start3A_35 = arith.constant 0 : i32
        %dma_start3A_36 = tpu.memref_slice %arg10[%dma_start3A, %dma_start3A_35] : memref<10016x64xf32, #tpu.memory_space<vmem_shared>> -> memref<16x64xf32, #tpu.memory_space<vmem_shared>>
        %dma_start3A_37 = arith.constant 9984 : i32
        %dma_start3A_38 = arith.constant 0 : i32
        %dma_start3A_39 = tpu.memref_slice %arg2[%dma_start3A_37, %dma_start3A_38] : memref<10000x64xf32, #tpu.memory_space<hbm>> -> memref<16x64xf32, #tpu.memory_space<hbm>>
        tpu.enqueue_dma source(%dma_start3A_39 : memref<16x64xf32, #tpu.memory_space<hbm>>) target(%dma_start3A_36 : memref<16x64xf32, #tpu.memory_space<vmem_shared>>) target_semaphore(%run_scoped3A : memref<!tpu.dma_semaphore, #tpu.memory_space<semaphore_mem>>)
        %dma_wait3A = arith.constant 9984 : i32
        %dma_wait3A_40 = arith.constant 0 : i32
        %dma_wait3A_41 = tpu.memref_slice %arg10[%dma_wait3A, %dma_wait3A_40] : memref<10016x64xf32, #tpu.memory_space<vmem_shared>> -> memref<16x64xf32, #tpu.memory_space<vmem_shared>>
        %dma_wait3A_42 = arith.constant 9984 : i32
        %dma_wait3A_43 = arith.constant 0 : i32
        %dma_wait3A_44 = tpu.memref_slice %arg2[%dma_wait3A_42, %dma_wait3A_43] : memref<10000x64xf32, #tpu.memory_space<hbm>> -> memref<16x64xf32, #tpu.memory_space<hbm>>
        tpu.wait_dma2 semaphore(%run_scoped3A : memref<!tpu.dma_semaphore, #tpu.memory_space<semaphore_mem>>) src(%dma_wait3A_44 : memref<16x64xf32, #tpu.memory_space<hbm>>) dst(%dma_wait3A_41 : memref<16x64xf32, #tpu.memory_space<vmem_shared>>)
        tpu.yield
      }) : () -> ()
    } else {
    }
    "tpu.region"() ({
      %run_scoped3A = tpu.sem_alloc : memref<!tpu.dma_semaphore, #tpu.memory_space<semaphore_mem>>
      %dma_start3A = arith.constant 0 : i32
      %dma_start3A_35 = arith.constant 0 : i32
      %dma_start3A_36 = tpu.memref_slice %arg3[%add3A, %dma_start3A, %dma_start3A_35] : memref<32x40x256xi32, #tpu.memory_space<hbm>> -> memref<1x40x256xi32, #tpu.memory_space<hbm>>
      %dma_start3A_37 = tpu.memref_squeeze %dma_start3A_36 : memref<1x40x256xi32, #tpu.memory_space<hbm>> -> memref<40x256xi32, #tpu.memory_space<hbm>>
      %dma_start3A_38 = arith.constant 0 : i32
      %dma_start3A_39 = arith.constant 0 : i32
      %dma_start3A_40 = tpu.memref_slice %arg3[%add3A, %dma_start3A_38, %dma_start3A_39] : memref<32x40x256xi32, #tpu.memory_space<hbm>> -> memref<1x40x256xi32, #tpu.memory_space<hbm>>
      %dma_start3A_41 = tpu.memref_squeeze %dma_start3A_40 : memref<1x40x256xi32, #tpu.memory_space<hbm>> -> memref<40x256xi32, #tpu.memory_space<hbm>>
      tpu.enqueue_dma source(%dma_start3A_41 : memref<40x256xi32, #tpu.memory_space<hbm>>) target(%arg7 : memref<40x256xi32, #tpu.memory_space<vmem>>) target_semaphore(%run_scoped3A : memref<!tpu.dma_semaphore, #tpu.memory_space<semaphore_mem>>)
      %dma_wait3A = arith.constant 0 : i32
      %dma_wait3A_42 = arith.constant 0 : i32
      %dma_wait3A_43 = tpu.memref_slice %arg3[%add3A, %dma_wait3A, %dma_wait3A_42] : memref<32x40x256xi32, #tpu.memory_space<hbm>> -> memref<1x40x256xi32, #tpu.memory_space<hbm>>
      %dma_wait3A_44 = tpu.memref_squeeze %dma_wait3A_43 : memref<1x40x256xi32, #tpu.memory_space<hbm>> -> memref<40x256xi32, #tpu.memory_space<hbm>>
      %dma_wait3A_45 = arith.constant 0 : i32
      %dma_wait3A_46 = arith.constant 0 : i32
      %dma_wait3A_47 = tpu.memref_slice %arg3[%add3A, %dma_wait3A_45, %dma_wait3A_46] : memref<32x40x256xi32, #tpu.memory_space<hbm>> -> memref<1x40x256xi32, #tpu.memory_space<hbm>>
      %dma_wait3A_48 = tpu.memref_squeeze %dma_wait3A_47 : memref<1x40x256xi32, #tpu.memory_space<hbm>> -> memref<40x256xi32, #tpu.memory_space<hbm>>
      tpu.wait_dma2 semaphore(%run_scoped3A : memref<!tpu.dma_semaphore, #tpu.memory_space<semaphore_mem>>) src(%dma_wait3A_48 : memref<40x256xi32, #tpu.memory_space<hbm>>) dst(%arg7 : memref<40x256xi32, #tpu.memory_space<vmem>>)
      tpu.yield
    }) : () -> ()
    "tpu.region"() ({
      %run_scoped3A = tpu.sem_alloc : memref<!tpu.dma_semaphore, #tpu.memory_space<semaphore_mem>>
      %dma_start3A = arith.constant 0 : i32
      %dma_start3A_35 = arith.constant 0 : i32
      %dma_start3A_36 = tpu.memref_slice %arg4[%add3A, %dma_start3A, %dma_start3A_35] : memref<32x40x256xi32, #tpu.memory_space<hbm>> -> memref<1x40x256xi32, #tpu.memory_space<hbm>>
      %dma_start3A_37 = tpu.memref_squeeze %dma_start3A_36 : memref<1x40x256xi32, #tpu.memory_space<hbm>> -> memref<40x256xi32, #tpu.memory_space<hbm>>
      %dma_start3A_38 = arith.constant 0 : i32
      %dma_start3A_39 = arith.constant 0 : i32
      %dma_start3A_40 = tpu.memref_slice %arg4[%add3A, %dma_start3A_38, %dma_start3A_39] : memref<32x40x256xi32, #tpu.memory_space<hbm>> -> memref<1x40x256xi32, #tpu.memory_space<hbm>>
      %dma_start3A_41 = tpu.memref_squeeze %dma_start3A_40 : memref<1x40x256xi32, #tpu.memory_space<hbm>> -> memref<40x256xi32, #tpu.memory_space<hbm>>
      tpu.enqueue_dma source(%dma_start3A_41 : memref<40x256xi32, #tpu.memory_space<hbm>>) target(%arg8 : memref<40x256xi32, #tpu.memory_space<vmem>>) target_semaphore(%run_scoped3A : memref<!tpu.dma_semaphore, #tpu.memory_space<semaphore_mem>>)
      %dma_wait3A = arith.constant 0 : i32
      %dma_wait3A_42 = arith.constant 0 : i32
      %dma_wait3A_43 = tpu.memref_slice %arg4[%add3A, %dma_wait3A, %dma_wait3A_42] : memref<32x40x256xi32, #tpu.memory_space<hbm>> -> memref<1x40x256xi32, #tpu.memory_space<hbm>>
      %dma_wait3A_44 = tpu.memref_squeeze %dma_wait3A_43 : memref<1x40x256xi32, #tpu.memory_space<hbm>> -> memref<40x256xi32, #tpu.memory_space<hbm>>
      %dma_wait3A_45 = arith.constant 0 : i32
      %dma_wait3A_46 = arith.constant 0 : i32
      %dma_wait3A_47 = tpu.memref_slice %arg4[%add3A, %dma_wait3A_45, %dma_wait3A_46] : memref<32x40x256xi32, #tpu.memory_space<hbm>> -> memref<1x40x256xi32, #tpu.memory_space<hbm>>
      %dma_wait3A_48 = tpu.memref_squeeze %dma_wait3A_47 : memref<1x40x256xi32, #tpu.memory_space<hbm>> -> memref<40x256xi32, #tpu.memory_space<hbm>>
      tpu.wait_dma2 semaphore(%run_scoped3A : memref<!tpu.dma_semaphore, #tpu.memory_space<semaphore_mem>>) src(%dma_wait3A_48 : memref<40x256xi32, #tpu.memory_space<hbm>>) dst(%arg8 : memref<40x256xi32, #tpu.memory_space<vmem>>)
      tpu.yield
    }) : () -> ()
    %barrier3A = arith.constant 0 : index
    tpu.barrier barrier_id(%barrier3A)
    %scan3A = arith.constant 0 : i32
    %scan3A_29 = arith.constant 0 : i32
    %scan3A_30 = arith.constant 40 : i32
    %scan3A_31 = arith.addi %scan3A_29, %scan3A_30 : i32
    %scan3A_32 = arith.constant 1 : i32
    scf.for %scan3A_35 = %scan3A_29 to %scan3A_31 step %scan3A_32  : i32 {
      %dma_start3A = arith.constant 0 : i32
      %dma_start3A_36 = tpu.memref_slice %arg7[%scan3A_35, %dma_start3A] : memref<40x256xi32, #tpu.memory_space<vmem>> -> memref<1x256xi32, #tpu.memory_space<vmem>>
      %dma_start3A_37 = tpu.memref_squeeze %dma_start3A_36 : memref<1x256xi32, #tpu.memory_space<vmem>> -> memref<256xi32, #tpu.memory_space<vmem>>
      %dma_start3A_38 = arith.constant 0 : i32
      %dma_start3A_39 = arith.constant 0 : i32
      %dma_start3A_40 = tpu.memref_slice %arg10[%dma_start3A_38, %dma_start3A_39] : memref<10016x64xf32, #tpu.memory_space<vmem_shared>> -> memref<10016x64xf32, #tpu.memory_space<vmem_shared>>
      tpu.enqueue_indirect_dma source(%dma_start3A_40 : memref<10016x64xf32, #tpu.memory_space<vmem_shared>>) target(%arg9 : memref<256x64xf32, #tpu.memory_space<vmem>>) offsets(%dma_start3A_37 : memref<256xi32, #tpu.memory_space<vmem>>) semaphore(%arg12 : memref<!tpu.dma_semaphore, #tpu.memory_space<semaphore_mem>>)
      %dma_wait3A = arith.constant 0 : i32
      %dma_wait3A_41 = tpu.memref_slice %arg7[%scan3A_35, %dma_wait3A] : memref<40x256xi32, #tpu.memory_space<vmem>> -> memref<1x256xi32, #tpu.memory_space<vmem>>
      %dma_wait3A_42 = tpu.memref_squeeze %dma_wait3A_41 : memref<1x256xi32, #tpu.memory_space<vmem>> -> memref<256xi32, #tpu.memory_space<vmem>>
      %dma_wait3A_43 = arith.constant 0 : i32
      %dma_wait3A_44 = arith.constant 0 : i32
      %dma_wait3A_45 = tpu.memref_slice %arg10[%dma_wait3A_43, %dma_wait3A_44] : memref<10016x64xf32, #tpu.memory_space<vmem_shared>> -> memref<10016x64xf32, #tpu.memory_space<vmem_shared>>
      tpu.wait_indirect_dma semaphore(%arg12 : memref<!tpu.dma_semaphore, #tpu.memory_space<semaphore_mem>>) src(%dma_wait3A_45 : memref<10016x64xf32, #tpu.memory_space<vmem_shared>>) dst(%arg9 : memref<256x64xf32, #tpu.memory_space<vmem>>)
      "tpu.region"() ({
        %run_scoped3A = tpu.sem_alloc : memref<!tpu.dma_semaphore, #tpu.memory_space<semaphore_mem>>
        %dma_start3A_46 = arith.constant 0 : i32
        %dma_start3A_47 = tpu.memref_slice %arg8[%scan3A_35, %dma_start3A_46] : memref<40x256xi32, #tpu.memory_space<vmem>> -> memref<1x256xi32, #tpu.memory_space<vmem>>
        %dma_start3A_48 = tpu.memref_squeeze %dma_start3A_47 : memref<1x256xi32, #tpu.memory_space<vmem>> -> memref<256xi32, #tpu.memory_space<vmem>>
        %dma_start3A_49 = arith.constant 0 : i32
        %dma_start3A_50 = arith.constant 0 : i32
        %dma_start3A_51 = tpu.memref_slice %arg11[%dma_start3A_49, %dma_start3A_50] : memref<10240x64xf32, #tpu.memory_space<vmem_shared>> -> memref<10240x64xf32, #tpu.memory_space<vmem_shared>>
        tpu.enqueue_indirect_dma source(%arg9 : memref<256x64xf32, #tpu.memory_space<vmem>>) target(%dma_start3A_51 : memref<10240x64xf32, #tpu.memory_space<vmem_shared>>) offsets(%dma_start3A_48 : memref<256xi32, #tpu.memory_space<vmem>>) semaphore(%run_scoped3A : memref<!tpu.dma_semaphore, #tpu.memory_space<semaphore_mem>>) {add = true}
        %dma_wait3A_52 = arith.constant 0 : i32
        %dma_wait3A_53 = tpu.memref_slice %arg8[%scan3A_35, %dma_wait3A_52] : memref<40x256xi32, #tpu.memory_space<vmem>> -> memref<1x256xi32, #tpu.memory_space<vmem>>
        %dma_wait3A_54 = tpu.memref_squeeze %dma_wait3A_53 : memref<1x256xi32, #tpu.memory_space<vmem>> -> memref<256xi32, #tpu.memory_space<vmem>>
        %dma_wait3A_55 = arith.constant 0 : i32
        %dma_wait3A_56 = arith.constant 0 : i32
        %dma_wait3A_57 = tpu.memref_slice %arg11[%dma_wait3A_55, %dma_wait3A_56] : memref<10240x64xf32, #tpu.memory_space<vmem_shared>> -> memref<10240x64xf32, #tpu.memory_space<vmem_shared>>
        tpu.wait_indirect_dma semaphore(%run_scoped3A : memref<!tpu.dma_semaphore, #tpu.memory_space<semaphore_mem>>) src(%arg9 : memref<256x64xf32, #tpu.memory_space<vmem>>) dst(%dma_wait3A_57 : memref<10240x64xf32, #tpu.memory_space<vmem_shared>>)
        tpu.yield
      }) : () -> ()
    }
    %scan3A_33 = arith.constant 40 : i32
    %barrier3A_34 = arith.constant 0 : index
    tpu.barrier barrier_id(%barrier3A_34)
    "tpu.region"() ({
      %run_scoped3A = tpu.sem_alloc : memref<!tpu.dma_semaphore, #tpu.memory_space<semaphore_mem>>
      %dma_start3A = arith.constant 0 : i32
      %dma_start3A_35 = arith.constant 0 : i32
      %dma_start3A_36 = tpu.memref_slice %arg6[%arg0, %dma_start3A, %dma_start3A_35] : memref<2x10240x64xf32, #tpu.memory_space<hbm>> -> memref<1x10240x64xf32, #tpu.memory_space<hbm>>
      %dma_start3A_37 = tpu.memref_squeeze %dma_start3A_36 : memref<1x10240x64xf32, #tpu.memory_space<hbm>> -> memref<10240x64xf32, #tpu.memory_space<hbm>>
      %dma_start3A_38 = arith.constant 0 : i32
      %dma_start3A_39 = tpu.memref_slice %dma_start3A_37[%mul3A_2, %dma_start3A_38] : memref<10240x64xf32, #tpu.memory_space<hbm>> -> memref<640x64xf32, #tpu.memory_space<hbm>>
      %dma_start3A_40 = arith.constant 0 : i32
      %dma_start3A_41 = tpu.memref_slice %arg11[%mul3A_2, %dma_start3A_40] : memref<10240x64xf32, #tpu.memory_space<vmem_shared>> -> memref<640x64xf32, #tpu.memory_space<vmem_shared>>
      tpu.enqueue_dma source(%dma_start3A_41 : memref<640x64xf32, #tpu.memory_space<vmem_shared>>) target(%dma_start3A_39 : memref<640x64xf32, #tpu.memory_space<hbm>>) target_semaphore(%run_scoped3A : memref<!tpu.dma_semaphore, #tpu.memory_space<semaphore_mem>>)
      %dma_wait3A = arith.constant 0 : i32
      %dma_wait3A_42 = arith.constant 0 : i32
      %dma_wait3A_43 = tpu.memref_slice %arg6[%arg0, %dma_wait3A, %dma_wait3A_42] : memref<2x10240x64xf32, #tpu.memory_space<hbm>> -> memref<1x10240x64xf32, #tpu.memory_space<hbm>>
      %dma_wait3A_44 = tpu.memref_squeeze %dma_wait3A_43 : memref<1x10240x64xf32, #tpu.memory_space<hbm>> -> memref<10240x64xf32, #tpu.memory_space<hbm>>
      %dma_wait3A_45 = arith.constant 0 : i32
      %dma_wait3A_46 = tpu.memref_slice %dma_wait3A_44[%mul3A_2, %dma_wait3A_45] : memref<10240x64xf32, #tpu.memory_space<hbm>> -> memref<640x64xf32, #tpu.memory_space<hbm>>
      %dma_wait3A_47 = arith.constant 0 : i32
      %dma_wait3A_48 = tpu.memref_slice %arg11[%mul3A_2, %dma_wait3A_47] : memref<10240x64xf32, #tpu.memory_space<vmem_shared>> -> memref<640x64xf32, #tpu.memory_space<vmem_shared>>
      tpu.wait_dma2 semaphore(%run_scoped3A : memref<!tpu.dma_semaphore, #tpu.memory_space<semaphore_mem>>) src(%dma_wait3A_48 : memref<640x64xf32, #tpu.memory_space<vmem_shared>>) dst(%dma_wait3A_46 : memref<640x64xf32, #tpu.memory_space<hbm>>)
      tpu.yield
    }) : () -> ()
    return
  }
}

#map = affine_map<(d0, d1) -> (0, 0, 0)>
#map1 = affine_map<(d0, d1) -> (0, 0)>
module attributes {stable_mosaic.version = 14 : i64} {
  func.func @deg_kernel(%arg0: i32, %arg1: i32, %arg2: memref<32x20x512xi32, #tpu.memory_space<hbm>>, %arg3: memref<512x16xf32, #tpu.memory_space<hbm>>, %arg4: memref<128x16xf32, #tpu.memory_space<hbm>>, %arg5: memref<2x10240x16xf32, #tpu.memory_space<hbm>>, %arg6: memref<20x512xi32, #tpu.memory_space<vmem>>, %arg7: memref<512x16xf32, #tpu.memory_space<vmem>>, %arg8: memref<10240x16xf32, #tpu.memory_space<vmem_shared>>) attributes {dimension_semantics = [#tpu.dimension_semantics<core_parallel>, #tpu.dimension_semantics<subcore_parallel>], iteration_bounds = array<i64: 2, 16>, scalar_prefetch = 0 : i64, scratch_operands = 3 : i64, tpu.core_type = #tpu.core_type<sc_vector_subcore>, window_params = [{transform_indices = #map}, {transform_indices = #map1}, {transform_indices = #map1}, {transform_indices = #map}]} {
    %mul3A = arith.constant 2 : i32
    %mul3A_0 = arith.muli %arg1, %mul3A : i32
    %add3A = arith.addi %mul3A_0, %arg0 : i32
    %mul3A_1 = arith.constant 640 : i32
    %mul3A_2 = arith.muli %arg1, %mul3A_1 : i32
    %mul3A_3 = arith.constant 640 : i32
    %mul3A_4 = arith.muli %arg1, %mul3A_3 : i32
    %add3A_5 = arith.constant 0 : i32
    %add3A_6 = arith.addi %mul3A_4, %add3A_5 : i32
    "tpu.region"() ({
      %run_scoped3A = tpu.sem_alloc : memref<!tpu.dma_semaphore, #tpu.memory_space<semaphore_mem>>
      %dma_start3A = arith.constant 0 : i32
      %dma_start3A_29 = tpu.memref_slice %arg8[%add3A_6, %dma_start3A] : memref<10240x16xf32, #tpu.memory_space<vmem_shared>> -> memref<128x16xf32, #tpu.memory_space<vmem_shared>>
      tpu.enqueue_dma source(%arg4 : memref<128x16xf32, #tpu.memory_space<hbm>>) target(%dma_start3A_29 : memref<128x16xf32, #tpu.memory_space<vmem_shared>>) target_semaphore(%run_scoped3A : memref<!tpu.dma_semaphore, #tpu.memory_space<semaphore_mem>>)
      %dma_wait3A = arith.constant 0 : i32
      %dma_wait3A_30 = tpu.memref_slice %arg8[%add3A_6, %dma_wait3A] : memref<10240x16xf32, #tpu.memory_space<vmem_shared>> -> memref<128x16xf32, #tpu.memory_space<vmem_shared>>
      tpu.wait_dma2 semaphore(%run_scoped3A : memref<!tpu.dma_semaphore, #tpu.memory_space<semaphore_mem>>) src(%arg4 : memref<128x16xf32, #tpu.memory_space<hbm>>) dst(%dma_wait3A_30 : memref<128x16xf32, #tpu.memory_space<vmem_shared>>)
      tpu.yield
    }) : () -> ()
    %mul3A_7 = arith.constant 640 : i32
    %mul3A_8 = arith.muli %arg1, %mul3A_7 : i32
    %add3A_9 = arith.constant 128 : i32
    %add3A_10 = arith.addi %mul3A_8, %add3A_9 : i32
    "tpu.region"() ({
      %run_scoped3A = tpu.sem_alloc : memref<!tpu.dma_semaphore, #tpu.memory_space<semaphore_mem>>
      %dma_start3A = arith.constant 0 : i32
      %dma_start3A_29 = tpu.memref_slice %arg8[%add3A_10, %dma_start3A] : memref<10240x16xf32, #tpu.memory_space<vmem_shared>> -> memref<128x16xf32, #tpu.memory_space<vmem_shared>>
      tpu.enqueue_dma source(%arg4 : memref<128x16xf32, #tpu.memory_space<hbm>>) target(%dma_start3A_29 : memref<128x16xf32, #tpu.memory_space<vmem_shared>>) target_semaphore(%run_scoped3A : memref<!tpu.dma_semaphore, #tpu.memory_space<semaphore_mem>>)
      %dma_wait3A = arith.constant 0 : i32
      %dma_wait3A_30 = tpu.memref_slice %arg8[%add3A_10, %dma_wait3A] : memref<10240x16xf32, #tpu.memory_space<vmem_shared>> -> memref<128x16xf32, #tpu.memory_space<vmem_shared>>
      tpu.wait_dma2 semaphore(%run_scoped3A : memref<!tpu.dma_semaphore, #tpu.memory_space<semaphore_mem>>) src(%arg4 : memref<128x16xf32, #tpu.memory_space<hbm>>) dst(%dma_wait3A_30 : memref<128x16xf32, #tpu.memory_space<vmem_shared>>)
      tpu.yield
    }) : () -> ()
    %mul3A_11 = arith.constant 640 : i32
    %mul3A_12 = arith.muli %arg1, %mul3A_11 : i32
    %add3A_13 = arith.constant 256 : i32
    %add3A_14 = arith.addi %mul3A_12, %add3A_13 : i32
    "tpu.region"() ({
      %run_scoped3A = tpu.sem_alloc : memref<!tpu.dma_semaphore, #tpu.memory_space<semaphore_mem>>
      %dma_start3A = arith.constant 0 : i32
      %dma_start3A_29 = tpu.memref_slice %arg8[%add3A_14, %dma_start3A] : memref<10240x16xf32, #tpu.memory_space<vmem_shared>> -> memref<128x16xf32, #tpu.memory_space<vmem_shared>>
      tpu.enqueue_dma source(%arg4 : memref<128x16xf32, #tpu.memory_space<hbm>>) target(%dma_start3A_29 : memref<128x16xf32, #tpu.memory_space<vmem_shared>>) target_semaphore(%run_scoped3A : memref<!tpu.dma_semaphore, #tpu.memory_space<semaphore_mem>>)
      %dma_wait3A = arith.constant 0 : i32
      %dma_wait3A_30 = tpu.memref_slice %arg8[%add3A_14, %dma_wait3A] : memref<10240x16xf32, #tpu.memory_space<vmem_shared>> -> memref<128x16xf32, #tpu.memory_space<vmem_shared>>
      tpu.wait_dma2 semaphore(%run_scoped3A : memref<!tpu.dma_semaphore, #tpu.memory_space<semaphore_mem>>) src(%arg4 : memref<128x16xf32, #tpu.memory_space<hbm>>) dst(%dma_wait3A_30 : memref<128x16xf32, #tpu.memory_space<vmem_shared>>)
      tpu.yield
    }) : () -> ()
    %mul3A_15 = arith.constant 640 : i32
    %mul3A_16 = arith.muli %arg1, %mul3A_15 : i32
    %add3A_17 = arith.constant 384 : i32
    %add3A_18 = arith.addi %mul3A_16, %add3A_17 : i32
    "tpu.region"() ({
      %run_scoped3A = tpu.sem_alloc : memref<!tpu.dma_semaphore, #tpu.memory_space<semaphore_mem>>
      %dma_start3A = arith.constant 0 : i32
      %dma_start3A_29 = tpu.memref_slice %arg8[%add3A_18, %dma_start3A] : memref<10240x16xf32, #tpu.memory_space<vmem_shared>> -> memref<128x16xf32, #tpu.memory_space<vmem_shared>>
      tpu.enqueue_dma source(%arg4 : memref<128x16xf32, #tpu.memory_space<hbm>>) target(%dma_start3A_29 : memref<128x16xf32, #tpu.memory_space<vmem_shared>>) target_semaphore(%run_scoped3A : memref<!tpu.dma_semaphore, #tpu.memory_space<semaphore_mem>>)
      %dma_wait3A = arith.constant 0 : i32
      %dma_wait3A_30 = tpu.memref_slice %arg8[%add3A_18, %dma_wait3A] : memref<10240x16xf32, #tpu.memory_space<vmem_shared>> -> memref<128x16xf32, #tpu.memory_space<vmem_shared>>
      tpu.wait_dma2 semaphore(%run_scoped3A : memref<!tpu.dma_semaphore, #tpu.memory_space<semaphore_mem>>) src(%arg4 : memref<128x16xf32, #tpu.memory_space<hbm>>) dst(%dma_wait3A_30 : memref<128x16xf32, #tpu.memory_space<vmem_shared>>)
      tpu.yield
    }) : () -> ()
    %mul3A_19 = arith.constant 640 : i32
    %mul3A_20 = arith.muli %arg1, %mul3A_19 : i32
    %add3A_21 = arith.constant 512 : i32
    %add3A_22 = arith.addi %mul3A_20, %add3A_21 : i32
    "tpu.region"() ({
      %run_scoped3A = tpu.sem_alloc : memref<!tpu.dma_semaphore, #tpu.memory_space<semaphore_mem>>
      %dma_start3A = arith.constant 0 : i32
      %dma_start3A_29 = tpu.memref_slice %arg8[%add3A_22, %dma_start3A] : memref<10240x16xf32, #tpu.memory_space<vmem_shared>> -> memref<128x16xf32, #tpu.memory_space<vmem_shared>>
      tpu.enqueue_dma source(%arg4 : memref<128x16xf32, #tpu.memory_space<hbm>>) target(%dma_start3A_29 : memref<128x16xf32, #tpu.memory_space<vmem_shared>>) target_semaphore(%run_scoped3A : memref<!tpu.dma_semaphore, #tpu.memory_space<semaphore_mem>>)
      %dma_wait3A = arith.constant 0 : i32
      %dma_wait3A_30 = tpu.memref_slice %arg8[%add3A_22, %dma_wait3A] : memref<10240x16xf32, #tpu.memory_space<vmem_shared>> -> memref<128x16xf32, #tpu.memory_space<vmem_shared>>
      tpu.wait_dma2 semaphore(%run_scoped3A : memref<!tpu.dma_semaphore, #tpu.memory_space<semaphore_mem>>) src(%arg4 : memref<128x16xf32, #tpu.memory_space<hbm>>) dst(%dma_wait3A_30 : memref<128x16xf32, #tpu.memory_space<vmem_shared>>)
      tpu.yield
    }) : () -> ()
    "tpu.region"() ({
      %run_scoped3A = tpu.sem_alloc : memref<!tpu.dma_semaphore, #tpu.memory_space<semaphore_mem>>
      %dma_start3A = arith.constant 0 : i32
      %dma_start3A_29 = arith.constant 0 : i32
      %dma_start3A_30 = tpu.memref_slice %arg2[%add3A, %dma_start3A, %dma_start3A_29] : memref<32x20x512xi32, #tpu.memory_space<hbm>> -> memref<1x20x512xi32, #tpu.memory_space<hbm>>
      %dma_start3A_31 = tpu.memref_squeeze %dma_start3A_30 : memref<1x20x512xi32, #tpu.memory_space<hbm>> -> memref<20x512xi32, #tpu.memory_space<hbm>>
      %dma_start3A_32 = arith.constant 0 : i32
      %dma_start3A_33 = arith.constant 0 : i32
      %dma_start3A_34 = tpu.memref_slice %arg2[%add3A, %dma_start3A_32, %dma_start3A_33] : memref<32x20x512xi32, #tpu.memory_space<hbm>> -> memref<1x20x512xi32, #tpu.memory_space<hbm>>
      %dma_start3A_35 = tpu.memref_squeeze %dma_start3A_34 : memref<1x20x512xi32, #tpu.memory_space<hbm>> -> memref<20x512xi32, #tpu.memory_space<hbm>>
      tpu.enqueue_dma source(%dma_start3A_35 : memref<20x512xi32, #tpu.memory_space<hbm>>) target(%arg6 : memref<20x512xi32, #tpu.memory_space<vmem>>) target_semaphore(%run_scoped3A : memref<!tpu.dma_semaphore, #tpu.memory_space<semaphore_mem>>)
      %dma_wait3A = arith.constant 0 : i32
      %dma_wait3A_36 = arith.constant 0 : i32
      %dma_wait3A_37 = tpu.memref_slice %arg2[%add3A, %dma_wait3A, %dma_wait3A_36] : memref<32x20x512xi32, #tpu.memory_space<hbm>> -> memref<1x20x512xi32, #tpu.memory_space<hbm>>
      %dma_wait3A_38 = tpu.memref_squeeze %dma_wait3A_37 : memref<1x20x512xi32, #tpu.memory_space<hbm>> -> memref<20x512xi32, #tpu.memory_space<hbm>>
      %dma_wait3A_39 = arith.constant 0 : i32
      %dma_wait3A_40 = arith.constant 0 : i32
      %dma_wait3A_41 = tpu.memref_slice %arg2[%add3A, %dma_wait3A_39, %dma_wait3A_40] : memref<32x20x512xi32, #tpu.memory_space<hbm>> -> memref<1x20x512xi32, #tpu.memory_space<hbm>>
      %dma_wait3A_42 = tpu.memref_squeeze %dma_wait3A_41 : memref<1x20x512xi32, #tpu.memory_space<hbm>> -> memref<20x512xi32, #tpu.memory_space<hbm>>
      tpu.wait_dma2 semaphore(%run_scoped3A : memref<!tpu.dma_semaphore, #tpu.memory_space<semaphore_mem>>) src(%dma_wait3A_42 : memref<20x512xi32, #tpu.memory_space<hbm>>) dst(%arg6 : memref<20x512xi32, #tpu.memory_space<vmem>>)
      tpu.yield
    }) : () -> ()
    "tpu.region"() ({
      %run_scoped3A = tpu.sem_alloc : memref<!tpu.dma_semaphore, #tpu.memory_space<semaphore_mem>>
      tpu.enqueue_dma source(%arg3 : memref<512x16xf32, #tpu.memory_space<hbm>>) target(%arg7 : memref<512x16xf32, #tpu.memory_space<vmem>>) target_semaphore(%run_scoped3A : memref<!tpu.dma_semaphore, #tpu.memory_space<semaphore_mem>>)
      tpu.wait_dma2 semaphore(%run_scoped3A : memref<!tpu.dma_semaphore, #tpu.memory_space<semaphore_mem>>) src(%arg3 : memref<512x16xf32, #tpu.memory_space<hbm>>) dst(%arg7 : memref<512x16xf32, #tpu.memory_space<vmem>>)
      tpu.yield
    }) : () -> ()
    %barrier3A = arith.constant 0 : index
    tpu.barrier barrier_id(%barrier3A)
    %scan3A = arith.constant 0 : i32
    %scan3A_23 = arith.constant 0 : i32
    %scan3A_24 = arith.constant 20 : i32
    %scan3A_25 = arith.addi %scan3A_23, %scan3A_24 : i32
    %scan3A_26 = arith.constant 1 : i32
    scf.for %scan3A_29 = %scan3A_23 to %scan3A_25 step %scan3A_26  : i32 {
      "tpu.region"() ({
        %run_scoped3A = tpu.sem_alloc : memref<!tpu.dma_semaphore, #tpu.memory_space<semaphore_mem>>
        %dma_start3A = arith.constant 0 : i32
        %dma_start3A_30 = tpu.memref_slice %arg6[%scan3A_29, %dma_start3A] : memref<20x512xi32, #tpu.memory_space<vmem>> -> memref<1x512xi32, #tpu.memory_space<vmem>>
        %dma_start3A_31 = tpu.memref_squeeze %dma_start3A_30 : memref<1x512xi32, #tpu.memory_space<vmem>> -> memref<512xi32, #tpu.memory_space<vmem>>
        %dma_start3A_32 = arith.constant 0 : i32
        %dma_start3A_33 = arith.constant 0 : i32
        %dma_start3A_34 = tpu.memref_slice %arg8[%dma_start3A_32, %dma_start3A_33] : memref<10240x16xf32, #tpu.memory_space<vmem_shared>> -> memref<10240x16xf32, #tpu.memory_space<vmem_shared>>
        tpu.enqueue_indirect_dma source(%arg7 : memref<512x16xf32, #tpu.memory_space<vmem>>) target(%dma_start3A_34 : memref<10240x16xf32, #tpu.memory_space<vmem_shared>>) offsets(%dma_start3A_31 : memref<512xi32, #tpu.memory_space<vmem>>) semaphore(%run_scoped3A : memref<!tpu.dma_semaphore, #tpu.memory_space<semaphore_mem>>) {add = true}
        %dma_wait3A = arith.constant 0 : i32
        %dma_wait3A_35 = tpu.memref_slice %arg6[%scan3A_29, %dma_wait3A] : memref<20x512xi32, #tpu.memory_space<vmem>> -> memref<1x512xi32, #tpu.memory_space<vmem>>
        %dma_wait3A_36 = tpu.memref_squeeze %dma_wait3A_35 : memref<1x512xi32, #tpu.memory_space<vmem>> -> memref<512xi32, #tpu.memory_space<vmem>>
        %dma_wait3A_37 = arith.constant 0 : i32
        %dma_wait3A_38 = arith.constant 0 : i32
        %dma_wait3A_39 = tpu.memref_slice %arg8[%dma_wait3A_37, %dma_wait3A_38] : memref<10240x16xf32, #tpu.memory_space<vmem_shared>> -> memref<10240x16xf32, #tpu.memory_space<vmem_shared>>
        tpu.wait_indirect_dma semaphore(%run_scoped3A : memref<!tpu.dma_semaphore, #tpu.memory_space<semaphore_mem>>) src(%arg7 : memref<512x16xf32, #tpu.memory_space<vmem>>) dst(%dma_wait3A_39 : memref<10240x16xf32, #tpu.memory_space<vmem_shared>>)
        tpu.yield
      }) : () -> ()
    }
    %scan3A_27 = arith.constant 20 : i32
    %barrier3A_28 = arith.constant 0 : index
    tpu.barrier barrier_id(%barrier3A_28)
    "tpu.region"() ({
      %run_scoped3A = tpu.sem_alloc : memref<!tpu.dma_semaphore, #tpu.memory_space<semaphore_mem>>
      %dma_start3A = arith.constant 0 : i32
      %dma_start3A_29 = arith.constant 0 : i32
      %dma_start3A_30 = tpu.memref_slice %arg5[%arg0, %dma_start3A, %dma_start3A_29] : memref<2x10240x16xf32, #tpu.memory_space<hbm>> -> memref<1x10240x16xf32, #tpu.memory_space<hbm>>
      %dma_start3A_31 = tpu.memref_squeeze %dma_start3A_30 : memref<1x10240x16xf32, #tpu.memory_space<hbm>> -> memref<10240x16xf32, #tpu.memory_space<hbm>>
      %dma_start3A_32 = arith.constant 0 : i32
      %dma_start3A_33 = tpu.memref_slice %dma_start3A_31[%mul3A_2, %dma_start3A_32] : memref<10240x16xf32, #tpu.memory_space<hbm>> -> memref<640x16xf32, #tpu.memory_space<hbm>>
      %dma_start3A_34 = arith.constant 0 : i32
      %dma_start3A_35 = tpu.memref_slice %arg8[%mul3A_2, %dma_start3A_34] : memref<10240x16xf32, #tpu.memory_space<vmem_shared>> -> memref<640x16xf32, #tpu.memory_space<vmem_shared>>
      tpu.enqueue_dma source(%dma_start3A_35 : memref<640x16xf32, #tpu.memory_space<vmem_shared>>) target(%dma_start3A_33 : memref<640x16xf32, #tpu.memory_space<hbm>>) target_semaphore(%run_scoped3A : memref<!tpu.dma_semaphore, #tpu.memory_space<semaphore_mem>>)
      %dma_wait3A = arith.constant 0 : i32
      %dma_wait3A_36 = arith.constant 0 : i32
      %dma_wait3A_37 = tpu.memref_slice %arg5[%arg0, %dma_wait3A, %dma_wait3A_36] : memref<2x10240x16xf32, #tpu.memory_space<hbm>> -> memref<1x10240x16xf32, #tpu.memory_space<hbm>>
      %dma_wait3A_38 = tpu.memref_squeeze %dma_wait3A_37 : memref<1x10240x16xf32, #tpu.memory_space<hbm>> -> memref<10240x16xf32, #tpu.memory_space<hbm>>
      %dma_wait3A_39 = arith.constant 0 : i32
      %dma_wait3A_40 = tpu.memref_slice %dma_wait3A_38[%mul3A_2, %dma_wait3A_39] : memref<10240x16xf32, #tpu.memory_space<hbm>> -> memref<640x16xf32, #tpu.memory_space<hbm>>
      %dma_wait3A_41 = arith.constant 0 : i32
      %dma_wait3A_42 = tpu.memref_slice %arg8[%mul3A_2, %dma_wait3A_41] : memref<10240x16xf32, #tpu.memory_space<vmem_shared>> -> memref<640x16xf32, #tpu.memory_space<vmem_shared>>
      tpu.wait_dma2 semaphore(%run_scoped3A : memref<!tpu.dma_semaphore, #tpu.memory_space<semaphore_mem>>) src(%dma_wait3A_42 : memref<640x16xf32, #tpu.memory_space<vmem_shared>>) dst(%dma_wait3A_40 : memref<640x16xf32, #tpu.memory_space<hbm>>)
      tpu.yield
    }) : () -> ()
    return
  }
}

#map = affine_map<(d0, d1) -> (0, 0)>
#map1 = affine_map<(d0, d1) -> (0, 0, 0)>
module attributes {stable_mosaic.version = 14 : i64} {
  func.func @scatter_kernel(%arg0: i32, %arg1: i32, %arg2: memref<10000x128xf32, #tpu.memory_space<hbm>>, %arg3: memref<32x40x256xi32, #tpu.memory_space<hbm>>, %arg4: memref<32x40x256xi32, #tpu.memory_space<hbm>>, %arg5: memref<128x128xf32, #tpu.memory_space<hbm>>, %arg6: memref<2x10240x128xf32, #tpu.memory_space<hbm>>, %arg7: memref<20x256xi32, #tpu.memory_space<vmem>>, %arg8: memref<20x256xi32, #tpu.memory_space<vmem>>, %arg9: memref<256x128xf32, #tpu.memory_space<vmem>>, %arg10: memref<10240x128xf32, #tpu.memory_space<vmem_shared>>, %arg11: memref<!tpu.dma_semaphore, #tpu.memory_space<semaphore_mem>>) attributes {dimension_semantics = [#tpu.dimension_semantics<core_parallel>, #tpu.dimension_semantics<subcore_parallel>], iteration_bounds = array<i64: 2, 16>, scalar_prefetch = 0 : i64, scratch_operands = 5 : i64, tpu.core_type = #tpu.core_type<sc_vector_subcore>, window_params = [{transform_indices = #map}, {transform_indices = #map1}, {transform_indices = #map1}, {transform_indices = #map}, {transform_indices = #map1}]} {
    %mul3A = arith.constant 2 : i32
    %mul3A_0 = arith.muli %arg1, %mul3A : i32
    %add3A = arith.addi %mul3A_0, %arg0 : i32
    %mul3A_1 = arith.constant 640 : i32
    %mul3A_2 = arith.muli %arg1, %mul3A_1 : i32
    %mul3A_3 = arith.constant 640 : i32
    %mul3A_4 = arith.muli %arg1, %mul3A_3 : i32
    %add3A_5 = arith.constant 0 : i32
    %add3A_6 = arith.addi %mul3A_4, %add3A_5 : i32
    "tpu.region"() ({
      %run_scoped3A = tpu.sem_alloc : memref<!tpu.dma_semaphore, #tpu.memory_space<semaphore_mem>>
      %dma_start3A = arith.constant 0 : i32
      %dma_start3A_35 = tpu.memref_slice %arg10[%add3A_6, %dma_start3A] : memref<10240x128xf32, #tpu.memory_space<vmem_shared>> -> memref<128x128xf32, #tpu.memory_space<vmem_shared>>
      tpu.enqueue_dma source(%arg5 : memref<128x128xf32, #tpu.memory_space<hbm>>) target(%dma_start3A_35 : memref<128x128xf32, #tpu.memory_space<vmem_shared>>) target_semaphore(%run_scoped3A : memref<!tpu.dma_semaphore, #tpu.memory_space<semaphore_mem>>)
      %dma_wait3A = arith.constant 0 : i32
      %dma_wait3A_36 = tpu.memref_slice %arg10[%add3A_6, %dma_wait3A] : memref<10240x128xf32, #tpu.memory_space<vmem_shared>> -> memref<128x128xf32, #tpu.memory_space<vmem_shared>>
      tpu.wait_dma2 semaphore(%run_scoped3A : memref<!tpu.dma_semaphore, #tpu.memory_space<semaphore_mem>>) src(%arg5 : memref<128x128xf32, #tpu.memory_space<hbm>>) dst(%dma_wait3A_36 : memref<128x128xf32, #tpu.memory_space<vmem_shared>>)
      tpu.yield
    }) : () -> ()
    %mul3A_7 = arith.constant 640 : i32
    %mul3A_8 = arith.muli %arg1, %mul3A_7 : i32
    %add3A_9 = arith.constant 128 : i32
    %add3A_10 = arith.addi %mul3A_8, %add3A_9 : i32
    "tpu.region"() ({
      %run_scoped3A = tpu.sem_alloc : memref<!tpu.dma_semaphore, #tpu.memory_space<semaphore_mem>>
      %dma_start3A = arith.constant 0 : i32
      %dma_start3A_35 = tpu.memref_slice %arg10[%add3A_10, %dma_start3A] : memref<10240x128xf32, #tpu.memory_space<vmem_shared>> -> memref<128x128xf32, #tpu.memory_space<vmem_shared>>
      tpu.enqueue_dma source(%arg5 : memref<128x128xf32, #tpu.memory_space<hbm>>) target(%dma_start3A_35 : memref<128x128xf32, #tpu.memory_space<vmem_shared>>) target_semaphore(%run_scoped3A : memref<!tpu.dma_semaphore, #tpu.memory_space<semaphore_mem>>)
      %dma_wait3A = arith.constant 0 : i32
      %dma_wait3A_36 = tpu.memref_slice %arg10[%add3A_10, %dma_wait3A] : memref<10240x128xf32, #tpu.memory_space<vmem_shared>> -> memref<128x128xf32, #tpu.memory_space<vmem_shared>>
      tpu.wait_dma2 semaphore(%run_scoped3A : memref<!tpu.dma_semaphore, #tpu.memory_space<semaphore_mem>>) src(%arg5 : memref<128x128xf32, #tpu.memory_space<hbm>>) dst(%dma_wait3A_36 : memref<128x128xf32, #tpu.memory_space<vmem_shared>>)
      tpu.yield
    }) : () -> ()
    %mul3A_11 = arith.constant 640 : i32
    %mul3A_12 = arith.muli %arg1, %mul3A_11 : i32
    %add3A_13 = arith.constant 256 : i32
    %add3A_14 = arith.addi %mul3A_12, %add3A_13 : i32
    "tpu.region"() ({
      %run_scoped3A = tpu.sem_alloc : memref<!tpu.dma_semaphore, #tpu.memory_space<semaphore_mem>>
      %dma_start3A = arith.constant 0 : i32
      %dma_start3A_35 = tpu.memref_slice %arg10[%add3A_14, %dma_start3A] : memref<10240x128xf32, #tpu.memory_space<vmem_shared>> -> memref<128x128xf32, #tpu.memory_space<vmem_shared>>
      tpu.enqueue_dma source(%arg5 : memref<128x128xf32, #tpu.memory_space<hbm>>) target(%dma_start3A_35 : memref<128x128xf32, #tpu.memory_space<vmem_shared>>) target_semaphore(%run_scoped3A : memref<!tpu.dma_semaphore, #tpu.memory_space<semaphore_mem>>)
      %dma_wait3A = arith.constant 0 : i32
      %dma_wait3A_36 = tpu.memref_slice %arg10[%add3A_14, %dma_wait3A] : memref<10240x128xf32, #tpu.memory_space<vmem_shared>> -> memref<128x128xf32, #tpu.memory_space<vmem_shared>>
      tpu.wait_dma2 semaphore(%run_scoped3A : memref<!tpu.dma_semaphore, #tpu.memory_space<semaphore_mem>>) src(%arg5 : memref<128x128xf32, #tpu.memory_space<hbm>>) dst(%dma_wait3A_36 : memref<128x128xf32, #tpu.memory_space<vmem_shared>>)
      tpu.yield
    }) : () -> ()
    %mul3A_15 = arith.constant 640 : i32
    %mul3A_16 = arith.muli %arg1, %mul3A_15 : i32
    %add3A_17 = arith.constant 384 : i32
    %add3A_18 = arith.addi %mul3A_16, %add3A_17 : i32
    "tpu.region"() ({
      %run_scoped3A = tpu.sem_alloc : memref<!tpu.dma_semaphore, #tpu.memory_space<semaphore_mem>>
      %dma_start3A = arith.constant 0 : i32
      %dma_start3A_35 = tpu.memref_slice %arg10[%add3A_18, %dma_start3A] : memref<10240x128xf32, #tpu.memory_space<vmem_shared>> -> memref<128x128xf32, #tpu.memory_space<vmem_shared>>
      tpu.enqueue_dma source(%arg5 : memref<128x128xf32, #tpu.memory_space<hbm>>) target(%dma_start3A_35 : memref<128x128xf32, #tpu.memory_space<vmem_shared>>) target_semaphore(%run_scoped3A : memref<!tpu.dma_semaphore, #tpu.memory_space<semaphore_mem>>)
      %dma_wait3A = arith.constant 0 : i32
      %dma_wait3A_36 = tpu.memref_slice %arg10[%add3A_18, %dma_wait3A] : memref<10240x128xf32, #tpu.memory_space<vmem_shared>> -> memref<128x128xf32, #tpu.memory_space<vmem_shared>>
      tpu.wait_dma2 semaphore(%run_scoped3A : memref<!tpu.dma_semaphore, #tpu.memory_space<semaphore_mem>>) src(%arg5 : memref<128x128xf32, #tpu.memory_space<hbm>>) dst(%dma_wait3A_36 : memref<128x128xf32, #tpu.memory_space<vmem_shared>>)
      tpu.yield
    }) : () -> ()
    %mul3A_19 = arith.constant 640 : i32
    %mul3A_20 = arith.muli %arg1, %mul3A_19 : i32
    %add3A_21 = arith.constant 512 : i32
    %add3A_22 = arith.addi %mul3A_20, %add3A_21 : i32
    "tpu.region"() ({
      %run_scoped3A = tpu.sem_alloc : memref<!tpu.dma_semaphore, #tpu.memory_space<semaphore_mem>>
      %dma_start3A = arith.constant 0 : i32
      %dma_start3A_35 = tpu.memref_slice %arg10[%add3A_22, %dma_start3A] : memref<10240x128xf32, #tpu.memory_space<vmem_shared>> -> memref<128x128xf32, #tpu.memory_space<vmem_shared>>
      tpu.enqueue_dma source(%arg5 : memref<128x128xf32, #tpu.memory_space<hbm>>) target(%dma_start3A_35 : memref<128x128xf32, #tpu.memory_space<vmem_shared>>) target_semaphore(%run_scoped3A : memref<!tpu.dma_semaphore, #tpu.memory_space<semaphore_mem>>)
      %dma_wait3A = arith.constant 0 : i32
      %dma_wait3A_36 = tpu.memref_slice %arg10[%add3A_22, %dma_wait3A] : memref<10240x128xf32, #tpu.memory_space<vmem_shared>> -> memref<128x128xf32, #tpu.memory_space<vmem_shared>>
      tpu.wait_dma2 semaphore(%run_scoped3A : memref<!tpu.dma_semaphore, #tpu.memory_space<semaphore_mem>>) src(%arg5 : memref<128x128xf32, #tpu.memory_space<hbm>>) dst(%dma_wait3A_36 : memref<128x128xf32, #tpu.memory_space<vmem_shared>>)
      tpu.yield
    }) : () -> ()
    %barrier3A = arith.constant 0 : index
    tpu.barrier barrier_id(%barrier3A)
    "tpu.region"() ({
      %run_scoped3A = tpu.sem_alloc : memref<!tpu.dma_semaphore, #tpu.memory_space<semaphore_mem>>
      %dma_start3A = arith.constant 0 : i32
      %dma_start3A_35 = arith.constant 0 : i32
      %dma_start3A_36 = tpu.memref_slice %arg3[%add3A, %dma_start3A, %dma_start3A_35] : memref<32x40x256xi32, #tpu.memory_space<hbm>> -> memref<1x40x256xi32, #tpu.memory_space<hbm>>
      %dma_start3A_37 = tpu.memref_squeeze %dma_start3A_36 : memref<1x40x256xi32, #tpu.memory_space<hbm>> -> memref<40x256xi32, #tpu.memory_space<hbm>>
      %dma_start3A_38 = arith.constant 0 : i32
      %dma_start3A_39 = arith.constant 0 : i32
      %dma_start3A_40 = tpu.memref_slice %dma_start3A_37[%dma_start3A_38, %dma_start3A_39] : memref<40x256xi32, #tpu.memory_space<hbm>> -> memref<20x256xi32, #tpu.memory_space<hbm>>
      %dma_start3A_41 = arith.constant 0 : i32
      %dma_start3A_42 = arith.constant 0 : i32
      %dma_start3A_43 = tpu.memref_slice %arg3[%add3A, %dma_start3A_41, %dma_start3A_42] : memref<32x40x256xi32, #tpu.memory_space<hbm>> -> memref<1x40x256xi32, #tpu.memory_space<hbm>>
      %dma_start3A_44 = tpu.memref_squeeze %dma_start3A_43 : memref<1x40x256xi32, #tpu.memory_space<hbm>> -> memref<40x256xi32, #tpu.memory_space<hbm>>
      %dma_start3A_45 = arith.constant 0 : i32
      %dma_start3A_46 = arith.constant 0 : i32
      %dma_start3A_47 = tpu.memref_slice %dma_start3A_44[%dma_start3A_45, %dma_start3A_46] : memref<40x256xi32, #tpu.memory_space<hbm>> -> memref<20x256xi32, #tpu.memory_space<hbm>>
      tpu.enqueue_dma source(%dma_start3A_47 : memref<20x256xi32, #tpu.memory_space<hbm>>) target(%arg7 : memref<20x256xi32, #tpu.memory_space<vmem>>) target_semaphore(%run_scoped3A : memref<!tpu.dma_semaphore, #tpu.memory_space<semaphore_mem>>)
      %dma_wait3A = arith.constant 0 : i32
      %dma_wait3A_48 = arith.constant 0 : i32
      %dma_wait3A_49 = tpu.memref_slice %arg3[%add3A, %dma_wait3A, %dma_wait3A_48] : memref<32x40x256xi32, #tpu.memory_space<hbm>> -> memref<1x40x256xi32, #tpu.memory_space<hbm>>
      %dma_wait3A_50 = tpu.memref_squeeze %dma_wait3A_49 : memref<1x40x256xi32, #tpu.memory_space<hbm>> -> memref<40x256xi32, #tpu.memory_space<hbm>>
      %dma_wait3A_51 = arith.constant 0 : i32
      %dma_wait3A_52 = arith.constant 0 : i32
      %dma_wait3A_53 = tpu.memref_slice %dma_wait3A_50[%dma_wait3A_51, %dma_wait3A_52] : memref<40x256xi32, #tpu.memory_space<hbm>> -> memref<20x256xi32, #tpu.memory_space<hbm>>
      %dma_wait3A_54 = arith.constant 0 : i32
      %dma_wait3A_55 = arith.constant 0 : i32
      %dma_wait3A_56 = tpu.memref_slice %arg3[%add3A, %dma_wait3A_54, %dma_wait3A_55] : memref<32x40x256xi32, #tpu.memory_space<hbm>> -> memref<1x40x256xi32, #tpu.memory_space<hbm>>
      %dma_wait3A_57 = tpu.memref_squeeze %dma_wait3A_56 : memref<1x40x256xi32, #tpu.memory_space<hbm>> -> memref<40x256xi32, #tpu.memory_space<hbm>>
      %dma_wait3A_58 = arith.constant 0 : i32
      %dma_wait3A_59 = arith.constant 0 : i32
      %dma_wait3A_60 = tpu.memref_slice %dma_wait3A_57[%dma_wait3A_58, %dma_wait3A_59] : memref<40x256xi32, #tpu.memory_space<hbm>> -> memref<20x256xi32, #tpu.memory_space<hbm>>
      tpu.wait_dma2 semaphore(%run_scoped3A : memref<!tpu.dma_semaphore, #tpu.memory_space<semaphore_mem>>) src(%dma_wait3A_60 : memref<20x256xi32, #tpu.memory_space<hbm>>) dst(%arg7 : memref<20x256xi32, #tpu.memory_space<vmem>>)
      tpu.yield
    }) : () -> ()
    "tpu.region"() ({
      %run_scoped3A = tpu.sem_alloc : memref<!tpu.dma_semaphore, #tpu.memory_space<semaphore_mem>>
      %dma_start3A = arith.constant 0 : i32
      %dma_start3A_35 = arith.constant 0 : i32
      %dma_start3A_36 = tpu.memref_slice %arg4[%add3A, %dma_start3A, %dma_start3A_35] : memref<32x40x256xi32, #tpu.memory_space<hbm>> -> memref<1x40x256xi32, #tpu.memory_space<hbm>>
      %dma_start3A_37 = tpu.memref_squeeze %dma_start3A_36 : memref<1x40x256xi32, #tpu.memory_space<hbm>> -> memref<40x256xi32, #tpu.memory_space<hbm>>
      %dma_start3A_38 = arith.constant 0 : i32
      %dma_start3A_39 = arith.constant 0 : i32
      %dma_start3A_40 = tpu.memref_slice %dma_start3A_37[%dma_start3A_38, %dma_start3A_39] : memref<40x256xi32, #tpu.memory_space<hbm>> -> memref<20x256xi32, #tpu.memory_space<hbm>>
      %dma_start3A_41 = arith.constant 0 : i32
      %dma_start3A_42 = arith.constant 0 : i32
      %dma_start3A_43 = tpu.memref_slice %arg4[%add3A, %dma_start3A_41, %dma_start3A_42] : memref<32x40x256xi32, #tpu.memory_space<hbm>> -> memref<1x40x256xi32, #tpu.memory_space<hbm>>
      %dma_start3A_44 = tpu.memref_squeeze %dma_start3A_43 : memref<1x40x256xi32, #tpu.memory_space<hbm>> -> memref<40x256xi32, #tpu.memory_space<hbm>>
      %dma_start3A_45 = arith.constant 0 : i32
      %dma_start3A_46 = arith.constant 0 : i32
      %dma_start3A_47 = tpu.memref_slice %dma_start3A_44[%dma_start3A_45, %dma_start3A_46] : memref<40x256xi32, #tpu.memory_space<hbm>> -> memref<20x256xi32, #tpu.memory_space<hbm>>
      tpu.enqueue_dma source(%dma_start3A_47 : memref<20x256xi32, #tpu.memory_space<hbm>>) target(%arg8 : memref<20x256xi32, #tpu.memory_space<vmem>>) target_semaphore(%run_scoped3A : memref<!tpu.dma_semaphore, #tpu.memory_space<semaphore_mem>>)
      %dma_wait3A = arith.constant 0 : i32
      %dma_wait3A_48 = arith.constant 0 : i32
      %dma_wait3A_49 = tpu.memref_slice %arg4[%add3A, %dma_wait3A, %dma_wait3A_48] : memref<32x40x256xi32, #tpu.memory_space<hbm>> -> memref<1x40x256xi32, #tpu.memory_space<hbm>>
      %dma_wait3A_50 = tpu.memref_squeeze %dma_wait3A_49 : memref<1x40x256xi32, #tpu.memory_space<hbm>> -> memref<40x256xi32, #tpu.memory_space<hbm>>
      %dma_wait3A_51 = arith.constant 0 : i32
      %dma_wait3A_52 = arith.constant 0 : i32
      %dma_wait3A_53 = tpu.memref_slice %dma_wait3A_50[%dma_wait3A_51, %dma_wait3A_52] : memref<40x256xi32, #tpu.memory_space<hbm>> -> memref<20x256xi32, #tpu.memory_space<hbm>>
      %dma_wait3A_54 = arith.constant 0 : i32
      %dma_wait3A_55 = arith.constant 0 : i32
      %dma_wait3A_56 = tpu.memref_slice %arg4[%add3A, %dma_wait3A_54, %dma_wait3A_55] : memref<32x40x256xi32, #tpu.memory_space<hbm>> -> memref<1x40x256xi32, #tpu.memory_space<hbm>>
      %dma_wait3A_57 = tpu.memref_squeeze %dma_wait3A_56 : memref<1x40x256xi32, #tpu.memory_space<hbm>> -> memref<40x256xi32, #tpu.memory_space<hbm>>
      %dma_wait3A_58 = arith.constant 0 : i32
      %dma_wait3A_59 = arith.constant 0 : i32
      %dma_wait3A_60 = tpu.memref_slice %dma_wait3A_57[%dma_wait3A_58, %dma_wait3A_59] : memref<40x256xi32, #tpu.memory_space<hbm>> -> memref<20x256xi32, #tpu.memory_space<hbm>>
      tpu.wait_dma2 semaphore(%run_scoped3A : memref<!tpu.dma_semaphore, #tpu.memory_space<semaphore_mem>>) src(%dma_wait3A_60 : memref<20x256xi32, #tpu.memory_space<hbm>>) dst(%arg8 : memref<20x256xi32, #tpu.memory_space<vmem>>)
      tpu.yield
    }) : () -> ()
    %scan3A = arith.constant 0 : i32
    %scan3A_23 = arith.constant 0 : i32
    %scan3A_24 = arith.constant 20 : i32
    %scan3A_25 = arith.addi %scan3A_23, %scan3A_24 : i32
    %scan3A_26 = arith.constant 1 : i32
    scf.for %scan3A_35 = %scan3A_23 to %scan3A_25 step %scan3A_26  : i32 {
      %dma_start3A = arith.constant 0 : i32
      %dma_start3A_36 = tpu.memref_slice %arg7[%scan3A_35, %dma_start3A] : memref<20x256xi32, #tpu.memory_space<vmem>> -> memref<1x256xi32, #tpu.memory_space<vmem>>
      %dma_start3A_37 = tpu.memref_squeeze %dma_start3A_36 : memref<1x256xi32, #tpu.memory_space<vmem>> -> memref<256xi32, #tpu.memory_space<vmem>>
      %dma_start3A_38 = arith.constant 0 : i32
      %dma_start3A_39 = arith.constant 0 : i32
      %dma_start3A_40 = tpu.memref_slice %arg2[%dma_start3A_38, %dma_start3A_39] : memref<10000x128xf32, #tpu.memory_space<hbm>> -> memref<10000x128xf32, #tpu.memory_space<hbm>>
      tpu.enqueue_indirect_dma source(%dma_start3A_40 : memref<10000x128xf32, #tpu.memory_space<hbm>>) target(%arg9 : memref<256x128xf32, #tpu.memory_space<vmem>>) offsets(%dma_start3A_37 : memref<256xi32, #tpu.memory_space<vmem>>) semaphore(%arg11 : memref<!tpu.dma_semaphore, #tpu.memory_space<semaphore_mem>>)
      %dma_wait3A = arith.constant 0 : i32
      %dma_wait3A_41 = tpu.memref_slice %arg7[%scan3A_35, %dma_wait3A] : memref<20x256xi32, #tpu.memory_space<vmem>> -> memref<1x256xi32, #tpu.memory_space<vmem>>
      %dma_wait3A_42 = tpu.memref_squeeze %dma_wait3A_41 : memref<1x256xi32, #tpu.memory_space<vmem>> -> memref<256xi32, #tpu.memory_space<vmem>>
      %dma_wait3A_43 = arith.constant 0 : i32
      %dma_wait3A_44 = arith.constant 0 : i32
      %dma_wait3A_45 = tpu.memref_slice %arg2[%dma_wait3A_43, %dma_wait3A_44] : memref<10000x128xf32, #tpu.memory_space<hbm>> -> memref<10000x128xf32, #tpu.memory_space<hbm>>
      tpu.wait_indirect_dma semaphore(%arg11 : memref<!tpu.dma_semaphore, #tpu.memory_space<semaphore_mem>>) src(%dma_wait3A_45 : memref<10000x128xf32, #tpu.memory_space<hbm>>) dst(%arg9 : memref<256x128xf32, #tpu.memory_space<vmem>>)
      "tpu.region"() ({
        %run_scoped3A = tpu.sem_alloc : memref<!tpu.dma_semaphore, #tpu.memory_space<semaphore_mem>>
        %dma_start3A_46 = arith.constant 0 : i32
        %dma_start3A_47 = tpu.memref_slice %arg8[%scan3A_35, %dma_start3A_46] : memref<20x256xi32, #tpu.memory_space<vmem>> -> memref<1x256xi32, #tpu.memory_space<vmem>>
        %dma_start3A_48 = tpu.memref_squeeze %dma_start3A_47 : memref<1x256xi32, #tpu.memory_space<vmem>> -> memref<256xi32, #tpu.memory_space<vmem>>
        %dma_start3A_49 = arith.constant 0 : i32
        %dma_start3A_50 = arith.constant 0 : i32
        %dma_start3A_51 = tpu.memref_slice %arg10[%dma_start3A_49, %dma_start3A_50] : memref<10240x128xf32, #tpu.memory_space<vmem_shared>> -> memref<10240x128xf32, #tpu.memory_space<vmem_shared>>
        tpu.enqueue_indirect_dma source(%arg9 : memref<256x128xf32, #tpu.memory_space<vmem>>) target(%dma_start3A_51 : memref<10240x128xf32, #tpu.memory_space<vmem_shared>>) offsets(%dma_start3A_48 : memref<256xi32, #tpu.memory_space<vmem>>) semaphore(%run_scoped3A : memref<!tpu.dma_semaphore, #tpu.memory_space<semaphore_mem>>) {add = true}
        %dma_wait3A_52 = arith.constant 0 : i32
        %dma_wait3A_53 = tpu.memref_slice %arg8[%scan3A_35, %dma_wait3A_52] : memref<20x256xi32, #tpu.memory_space<vmem>> -> memref<1x256xi32, #tpu.memory_space<vmem>>
        %dma_wait3A_54 = tpu.memref_squeeze %dma_wait3A_53 : memref<1x256xi32, #tpu.memory_space<vmem>> -> memref<256xi32, #tpu.memory_space<vmem>>
        %dma_wait3A_55 = arith.constant 0 : i32
        %dma_wait3A_56 = arith.constant 0 : i32
        %dma_wait3A_57 = tpu.memref_slice %arg10[%dma_wait3A_55, %dma_wait3A_56] : memref<10240x128xf32, #tpu.memory_space<vmem_shared>> -> memref<10240x128xf32, #tpu.memory_space<vmem_shared>>
        tpu.wait_indirect_dma semaphore(%run_scoped3A : memref<!tpu.dma_semaphore, #tpu.memory_space<semaphore_mem>>) src(%arg9 : memref<256x128xf32, #tpu.memory_space<vmem>>) dst(%dma_wait3A_57 : memref<10240x128xf32, #tpu.memory_space<vmem_shared>>)
        tpu.yield
      }) : () -> ()
    }
    %scan3A_27 = arith.constant 20 : i32
    "tpu.region"() ({
      %run_scoped3A = tpu.sem_alloc : memref<!tpu.dma_semaphore, #tpu.memory_space<semaphore_mem>>
      %dma_start3A = arith.constant 0 : i32
      %dma_start3A_35 = arith.constant 0 : i32
      %dma_start3A_36 = tpu.memref_slice %arg3[%add3A, %dma_start3A, %dma_start3A_35] : memref<32x40x256xi32, #tpu.memory_space<hbm>> -> memref<1x40x256xi32, #tpu.memory_space<hbm>>
      %dma_start3A_37 = tpu.memref_squeeze %dma_start3A_36 : memref<1x40x256xi32, #tpu.memory_space<hbm>> -> memref<40x256xi32, #tpu.memory_space<hbm>>
      %dma_start3A_38 = arith.constant 20 : i32
      %dma_start3A_39 = arith.constant 0 : i32
      %dma_start3A_40 = tpu.memref_slice %dma_start3A_37[%dma_start3A_38, %dma_start3A_39] : memref<40x256xi32, #tpu.memory_space<hbm>> -> memref<20x256xi32, #tpu.memory_space<hbm>>
      %dma_start3A_41 = arith.constant 0 : i32
      %dma_start3A_42 = arith.constant 0 : i32
      %dma_start3A_43 = tpu.memref_slice %arg3[%add3A, %dma_start3A_41, %dma_start3A_42] : memref<32x40x256xi32, #tpu.memory_space<hbm>> -> memref<1x40x256xi32, #tpu.memory_space<hbm>>
      %dma_start3A_44 = tpu.memref_squeeze %dma_start3A_43 : memref<1x40x256xi32, #tpu.memory_space<hbm>> -> memref<40x256xi32, #tpu.memory_space<hbm>>
      %dma_start3A_45 = arith.constant 20 : i32
      %dma_start3A_46 = arith.constant 0 : i32
      %dma_start3A_47 = tpu.memref_slice %dma_start3A_44[%dma_start3A_45, %dma_start3A_46] : memref<40x256xi32, #tpu.memory_space<hbm>> -> memref<20x256xi32, #tpu.memory_space<hbm>>
      tpu.enqueue_dma source(%dma_start3A_47 : memref<20x256xi32, #tpu.memory_space<hbm>>) target(%arg7 : memref<20x256xi32, #tpu.memory_space<vmem>>) target_semaphore(%run_scoped3A : memref<!tpu.dma_semaphore, #tpu.memory_space<semaphore_mem>>)
      %dma_wait3A = arith.constant 0 : i32
      %dma_wait3A_48 = arith.constant 0 : i32
      %dma_wait3A_49 = tpu.memref_slice %arg3[%add3A, %dma_wait3A, %dma_wait3A_48] : memref<32x40x256xi32, #tpu.memory_space<hbm>> -> memref<1x40x256xi32, #tpu.memory_space<hbm>>
      %dma_wait3A_50 = tpu.memref_squeeze %dma_wait3A_49 : memref<1x40x256xi32, #tpu.memory_space<hbm>> -> memref<40x256xi32, #tpu.memory_space<hbm>>
      %dma_wait3A_51 = arith.constant 20 : i32
      %dma_wait3A_52 = arith.constant 0 : i32
      %dma_wait3A_53 = tpu.memref_slice %dma_wait3A_50[%dma_wait3A_51, %dma_wait3A_52] : memref<40x256xi32, #tpu.memory_space<hbm>> -> memref<20x256xi32, #tpu.memory_space<hbm>>
      %dma_wait3A_54 = arith.constant 0 : i32
      %dma_wait3A_55 = arith.constant 0 : i32
      %dma_wait3A_56 = tpu.memref_slice %arg3[%add3A, %dma_wait3A_54, %dma_wait3A_55] : memref<32x40x256xi32, #tpu.memory_space<hbm>> -> memref<1x40x256xi32, #tpu.memory_space<hbm>>
      %dma_wait3A_57 = tpu.memref_squeeze %dma_wait3A_56 : memref<1x40x256xi32, #tpu.memory_space<hbm>> -> memref<40x256xi32, #tpu.memory_space<hbm>>
      %dma_wait3A_58 = arith.constant 20 : i32
      %dma_wait3A_59 = arith.constant 0 : i32
      %dma_wait3A_60 = tpu.memref_slice %dma_wait3A_57[%dma_wait3A_58, %dma_wait3A_59] : memref<40x256xi32, #tpu.memory_space<hbm>> -> memref<20x256xi32, #tpu.memory_space<hbm>>
      tpu.wait_dma2 semaphore(%run_scoped3A : memref<!tpu.dma_semaphore, #tpu.memory_space<semaphore_mem>>) src(%dma_wait3A_60 : memref<20x256xi32, #tpu.memory_space<hbm>>) dst(%arg7 : memref<20x256xi32, #tpu.memory_space<vmem>>)
      tpu.yield
    }) : () -> ()
    "tpu.region"() ({
      %run_scoped3A = tpu.sem_alloc : memref<!tpu.dma_semaphore, #tpu.memory_space<semaphore_mem>>
      %dma_start3A = arith.constant 0 : i32
      %dma_start3A_35 = arith.constant 0 : i32
      %dma_start3A_36 = tpu.memref_slice %arg4[%add3A, %dma_start3A, %dma_start3A_35] : memref<32x40x256xi32, #tpu.memory_space<hbm>> -> memref<1x40x256xi32, #tpu.memory_space<hbm>>
      %dma_start3A_37 = tpu.memref_squeeze %dma_start3A_36 : memref<1x40x256xi32, #tpu.memory_space<hbm>> -> memref<40x256xi32, #tpu.memory_space<hbm>>
      %dma_start3A_38 = arith.constant 20 : i32
      %dma_start3A_39 = arith.constant 0 : i32
      %dma_start3A_40 = tpu.memref_slice %dma_start3A_37[%dma_start3A_38, %dma_start3A_39] : memref<40x256xi32, #tpu.memory_space<hbm>> -> memref<20x256xi32, #tpu.memory_space<hbm>>
      %dma_start3A_41 = arith.constant 0 : i32
      %dma_start3A_42 = arith.constant 0 : i32
      %dma_start3A_43 = tpu.memref_slice %arg4[%add3A, %dma_start3A_41, %dma_start3A_42] : memref<32x40x256xi32, #tpu.memory_space<hbm>> -> memref<1x40x256xi32, #tpu.memory_space<hbm>>
      %dma_start3A_44 = tpu.memref_squeeze %dma_start3A_43 : memref<1x40x256xi32, #tpu.memory_space<hbm>> -> memref<40x256xi32, #tpu.memory_space<hbm>>
      %dma_start3A_45 = arith.constant 20 : i32
      %dma_start3A_46 = arith.constant 0 : i32
      %dma_start3A_47 = tpu.memref_slice %dma_start3A_44[%dma_start3A_45, %dma_start3A_46] : memref<40x256xi32, #tpu.memory_space<hbm>> -> memref<20x256xi32, #tpu.memory_space<hbm>>
      tpu.enqueue_dma source(%dma_start3A_47 : memref<20x256xi32, #tpu.memory_space<hbm>>) target(%arg8 : memref<20x256xi32, #tpu.memory_space<vmem>>) target_semaphore(%run_scoped3A : memref<!tpu.dma_semaphore, #tpu.memory_space<semaphore_mem>>)
      %dma_wait3A = arith.constant 0 : i32
      %dma_wait3A_48 = arith.constant 0 : i32
      %dma_wait3A_49 = tpu.memref_slice %arg4[%add3A, %dma_wait3A, %dma_wait3A_48] : memref<32x40x256xi32, #tpu.memory_space<hbm>> -> memref<1x40x256xi32, #tpu.memory_space<hbm>>
      %dma_wait3A_50 = tpu.memref_squeeze %dma_wait3A_49 : memref<1x40x256xi32, #tpu.memory_space<hbm>> -> memref<40x256xi32, #tpu.memory_space<hbm>>
      %dma_wait3A_51 = arith.constant 20 : i32
      %dma_wait3A_52 = arith.constant 0 : i32
      %dma_wait3A_53 = tpu.memref_slice %dma_wait3A_50[%dma_wait3A_51, %dma_wait3A_52] : memref<40x256xi32, #tpu.memory_space<hbm>> -> memref<20x256xi32, #tpu.memory_space<hbm>>
      %dma_wait3A_54 = arith.constant 0 : i32
      %dma_wait3A_55 = arith.constant 0 : i32
      %dma_wait3A_56 = tpu.memref_slice %arg4[%add3A, %dma_wait3A_54, %dma_wait3A_55] : memref<32x40x256xi32, #tpu.memory_space<hbm>> -> memref<1x40x256xi32, #tpu.memory_space<hbm>>
      %dma_wait3A_57 = tpu.memref_squeeze %dma_wait3A_56 : memref<1x40x256xi32, #tpu.memory_space<hbm>> -> memref<40x256xi32, #tpu.memory_space<hbm>>
      %dma_wait3A_58 = arith.constant 20 : i32
      %dma_wait3A_59 = arith.constant 0 : i32
      %dma_wait3A_60 = tpu.memref_slice %dma_wait3A_57[%dma_wait3A_58, %dma_wait3A_59] : memref<40x256xi32, #tpu.memory_space<hbm>> -> memref<20x256xi32, #tpu.memory_space<hbm>>
      tpu.wait_dma2 semaphore(%run_scoped3A : memref<!tpu.dma_semaphore, #tpu.memory_space<semaphore_mem>>) src(%dma_wait3A_60 : memref<20x256xi32, #tpu.memory_space<hbm>>) dst(%arg8 : memref<20x256xi32, #tpu.memory_space<vmem>>)
      tpu.yield
    }) : () -> ()
    %scan3A_28 = arith.constant 0 : i32
    %scan3A_29 = arith.constant 0 : i32
    %scan3A_30 = arith.constant 20 : i32
    %scan3A_31 = arith.addi %scan3A_29, %scan3A_30 : i32
    %scan3A_32 = arith.constant 1 : i32
    scf.for %scan3A_35 = %scan3A_29 to %scan3A_31 step %scan3A_32  : i32 {
      %dma_start3A = arith.constant 0 : i32
      %dma_start3A_36 = tpu.memref_slice %arg7[%scan3A_35, %dma_start3A] : memref<20x256xi32, #tpu.memory_space<vmem>> -> memref<1x256xi32, #tpu.memory_space<vmem>>
      %dma_start3A_37 = tpu.memref_squeeze %dma_start3A_36 : memref<1x256xi32, #tpu.memory_space<vmem>> -> memref<256xi32, #tpu.memory_space<vmem>>
      %dma_start3A_38 = arith.constant 0 : i32
      %dma_start3A_39 = arith.constant 0 : i32
      %dma_start3A_40 = tpu.memref_slice %arg2[%dma_start3A_38, %dma_start3A_39] : memref<10000x128xf32, #tpu.memory_space<hbm>> -> memref<10000x128xf32, #tpu.memory_space<hbm>>
      tpu.enqueue_indirect_dma source(%dma_start3A_40 : memref<10000x128xf32, #tpu.memory_space<hbm>>) target(%arg9 : memref<256x128xf32, #tpu.memory_space<vmem>>) offsets(%dma_start3A_37 : memref<256xi32, #tpu.memory_space<vmem>>) semaphore(%arg11 : memref<!tpu.dma_semaphore, #tpu.memory_space<semaphore_mem>>)
      %dma_wait3A = arith.constant 0 : i32
      %dma_wait3A_41 = tpu.memref_slice %arg7[%scan3A_35, %dma_wait3A] : memref<20x256xi32, #tpu.memory_space<vmem>> -> memref<1x256xi32, #tpu.memory_space<vmem>>
      %dma_wait3A_42 = tpu.memref_squeeze %dma_wait3A_41 : memref<1x256xi32, #tpu.memory_space<vmem>> -> memref<256xi32, #tpu.memory_space<vmem>>
      %dma_wait3A_43 = arith.constant 0 : i32
      %dma_wait3A_44 = arith.constant 0 : i32
      %dma_wait3A_45 = tpu.memref_slice %arg2[%dma_wait3A_43, %dma_wait3A_44] : memref<10000x128xf32, #tpu.memory_space<hbm>> -> memref<10000x128xf32, #tpu.memory_space<hbm>>
      tpu.wait_indirect_dma semaphore(%arg11 : memref<!tpu.dma_semaphore, #tpu.memory_space<semaphore_mem>>) src(%dma_wait3A_45 : memref<10000x128xf32, #tpu.memory_space<hbm>>) dst(%arg9 : memref<256x128xf32, #tpu.memory_space<vmem>>)
      "tpu.region"() ({
        %run_scoped3A = tpu.sem_alloc : memref<!tpu.dma_semaphore, #tpu.memory_space<semaphore_mem>>
        %dma_start3A_46 = arith.constant 0 : i32
        %dma_start3A_47 = tpu.memref_slice %arg8[%scan3A_35, %dma_start3A_46] : memref<20x256xi32, #tpu.memory_space<vmem>> -> memref<1x256xi32, #tpu.memory_space<vmem>>
        %dma_start3A_48 = tpu.memref_squeeze %dma_start3A_47 : memref<1x256xi32, #tpu.memory_space<vmem>> -> memref<256xi32, #tpu.memory_space<vmem>>
        %dma_start3A_49 = arith.constant 0 : i32
        %dma_start3A_50 = arith.constant 0 : i32
        %dma_start3A_51 = tpu.memref_slice %arg10[%dma_start3A_49, %dma_start3A_50] : memref<10240x128xf32, #tpu.memory_space<vmem_shared>> -> memref<10240x128xf32, #tpu.memory_space<vmem_shared>>
        tpu.enqueue_indirect_dma source(%arg9 : memref<256x128xf32, #tpu.memory_space<vmem>>) target(%dma_start3A_51 : memref<10240x128xf32, #tpu.memory_space<vmem_shared>>) offsets(%dma_start3A_48 : memref<256xi32, #tpu.memory_space<vmem>>) semaphore(%run_scoped3A : memref<!tpu.dma_semaphore, #tpu.memory_space<semaphore_mem>>) {add = true}
        %dma_wait3A_52 = arith.constant 0 : i32
        %dma_wait3A_53 = tpu.memref_slice %arg8[%scan3A_35, %dma_wait3A_52] : memref<20x256xi32, #tpu.memory_space<vmem>> -> memref<1x256xi32, #tpu.memory_space<vmem>>
        %dma_wait3A_54 = tpu.memref_squeeze %dma_wait3A_53 : memref<1x256xi32, #tpu.memory_space<vmem>> -> memref<256xi32, #tpu.memory_space<vmem>>
        %dma_wait3A_55 = arith.constant 0 : i32
        %dma_wait3A_56 = arith.constant 0 : i32
        %dma_wait3A_57 = tpu.memref_slice %arg10[%dma_wait3A_55, %dma_wait3A_56] : memref<10240x128xf32, #tpu.memory_space<vmem_shared>> -> memref<10240x128xf32, #tpu.memory_space<vmem_shared>>
        tpu.wait_indirect_dma semaphore(%run_scoped3A : memref<!tpu.dma_semaphore, #tpu.memory_space<semaphore_mem>>) src(%arg9 : memref<256x128xf32, #tpu.memory_space<vmem>>) dst(%dma_wait3A_57 : memref<10240x128xf32, #tpu.memory_space<vmem_shared>>)
        tpu.yield
      }) : () -> ()
    }
    %scan3A_33 = arith.constant 20 : i32
    %barrier3A_34 = arith.constant 0 : index
    tpu.barrier barrier_id(%barrier3A_34)
    "tpu.region"() ({
      %run_scoped3A = tpu.sem_alloc : memref<!tpu.dma_semaphore, #tpu.memory_space<semaphore_mem>>
      %dma_start3A = arith.constant 0 : i32
      %dma_start3A_35 = arith.constant 0 : i32
      %dma_start3A_36 = tpu.memref_slice %arg6[%arg0, %dma_start3A, %dma_start3A_35] : memref<2x10240x128xf32, #tpu.memory_space<hbm>> -> memref<1x10240x128xf32, #tpu.memory_space<hbm>>
      %dma_start3A_37 = tpu.memref_squeeze %dma_start3A_36 : memref<1x10240x128xf32, #tpu.memory_space<hbm>> -> memref<10240x128xf32, #tpu.memory_space<hbm>>
      %dma_start3A_38 = arith.constant 0 : i32
      %dma_start3A_39 = tpu.memref_slice %dma_start3A_37[%mul3A_2, %dma_start3A_38] : memref<10240x128xf32, #tpu.memory_space<hbm>> -> memref<640x128xf32, #tpu.memory_space<hbm>>
      %dma_start3A_40 = arith.constant 0 : i32
      %dma_start3A_41 = tpu.memref_slice %arg10[%mul3A_2, %dma_start3A_40] : memref<10240x128xf32, #tpu.memory_space<vmem_shared>> -> memref<640x128xf32, #tpu.memory_space<vmem_shared>>
      tpu.enqueue_dma source(%dma_start3A_41 : memref<640x128xf32, #tpu.memory_space<vmem_shared>>) target(%dma_start3A_39 : memref<640x128xf32, #tpu.memory_space<hbm>>) target_semaphore(%run_scoped3A : memref<!tpu.dma_semaphore, #tpu.memory_space<semaphore_mem>>)
      %dma_wait3A = arith.constant 0 : i32
      %dma_wait3A_42 = arith.constant 0 : i32
      %dma_wait3A_43 = tpu.memref_slice %arg6[%arg0, %dma_wait3A, %dma_wait3A_42] : memref<2x10240x128xf32, #tpu.memory_space<hbm>> -> memref<1x10240x128xf32, #tpu.memory_space<hbm>>
      %dma_wait3A_44 = tpu.memref_squeeze %dma_wait3A_43 : memref<1x10240x128xf32, #tpu.memory_space<hbm>> -> memref<10240x128xf32, #tpu.memory_space<hbm>>
      %dma_wait3A_45 = arith.constant 0 : i32
      %dma_wait3A_46 = tpu.memref_slice %dma_wait3A_44[%mul3A_2, %dma_wait3A_45] : memref<10240x128xf32, #tpu.memory_space<hbm>> -> memref<640x128xf32, #tpu.memory_space<hbm>>
      %dma_wait3A_47 = arith.constant 0 : i32
      %dma_wait3A_48 = tpu.memref_slice %arg10[%mul3A_2, %dma_wait3A_47] : memref<10240x128xf32, #tpu.memory_space<vmem_shared>> -> memref<640x128xf32, #tpu.memory_space<vmem_shared>>
      tpu.wait_dma2 semaphore(%run_scoped3A : memref<!tpu.dma_semaphore, #tpu.memory_space<semaphore_mem>>) src(%dma_wait3A_48 : memref<640x128xf32, #tpu.memory_space<vmem_shared>>) dst(%dma_wait3A_46 : memref<640x128xf32, #tpu.memory_space<hbm>>)
      tpu.yield
    }) : () -> ()
    return
  }
}

module attributes {stable_mosaic.version = 14 : i64} {
  func.func @_t1_body(%arg0: i32, %arg1: memref<1000x128xf32, #tpu.memory_space<vmem>>, %arg2: memref<128x128xf32, #tpu.memory_space<vmem>>, %arg3: memref<2x1000x16xf32, #tpu.memory_space<vmem>>, %arg4: memref<1000x128xf32, #tpu.memory_space<vmem>>) attributes {dimension_semantics = [#tpu.dimension_semantics<arbitrary>], iteration_bounds = array<i64: 10>, scalar_prefetch = 0 : i64, scratch_operands = 0 : i64, tpu.core_type = #tpu.core_type<tc>, window_params = [{transform_indices = @transform_0, window_bounds = array<i64: 1000, 128>}, {pipeline_mode = #tpu.pipeline_mode<synchronous>, transform_indices = @transform_1, window_bounds = array<i64: 128, 128>}, {transform_indices = @transform_2, window_bounds = array<i64: 2, 1000, 16>}, {transform_indices = @transform_3, window_bounds = array<i64: 1000, 128>}]} {
    %get3A = arith.constant 0 : index
    %get3A_0 = arith.constant 0 : index
    %get3A_1 = arith.constant 0 : index
    %get3A_2 = vector.load %arg3[%get3A, %get3A_0, %get3A_1] : memref<2x1000x16xf32, #tpu.memory_space<vmem>>, vector<1x1000x1xf32>
    %get3A_3 = vector.shape_cast %get3A_2 : vector<1x1000x1xf32> to vector<1000x1xf32>
    %get3A_4 = arith.constant 1 : index
    %get3A_5 = arith.constant 0 : index
    %get3A_6 = arith.constant 0 : index
    %get3A_7 = vector.load %arg3[%get3A_4, %get3A_5, %get3A_6] : memref<2x1000x16xf32, #tpu.memory_space<vmem>>, vector<1x1000x1xf32>
    %get3A_8 = vector.shape_cast %get3A_7 : vector<1x1000x1xf32> to vector<1000x1xf32>
    %add3A = arith.addf %get3A_3, %get3A_8 : vector<1000x1xf32>
    %add3A_9 = arith.constant 1.000000e+00 : f32
    %add3A_10 = vector.broadcast %add3A_9 : f32 to vector<1000x1xf32>
    %add3A_11 = arith.addf %add3A, %add3A_10 : vector<1000x1xf32>
    %rsqrt3A = math.rsqrt %add3A_11 : vector<1000x1xf32>
    %get3A_12 = arith.constant 0 : index
    %get3A_13 = arith.constant 0 : index
    %get3A_14 = vector.load %arg1[%get3A_12, %get3A_13] : memref<1000x128xf32, #tpu.memory_space<vmem>>, vector<1000x128xf32>
    %get3A_15 = arith.constant 0 : index
    %get3A_16 = arith.constant 0 : index
    %get3A_17 = vector.load %arg2[%get3A_15, %get3A_16] : memref<128x128xf32, #tpu.memory_space<vmem>>, vector<128x128xf32>
    %dot_general3A = arith.constant dense<0.000000e+00> : vector<1000x128xf32>
    %dot_general3A_18 = tpu.matmul %get3A_14, %get3A_17, %dot_general3A {dimension_numbers = #tpu.dot_dimension_numbers<[1], [0], [0], [1], [0, 0, 1, 1], [], []>, transpose_lhs_hint = false} : vector<1000x128xf32>, vector<128x128xf32>, vector<1000x128xf32> -> vector<1000x128xf32>
    %mul3A = vector.broadcast %rsqrt3A : vector<1000x1xf32> to vector<1000x128xf32>
    %mul3A_19 = arith.mulf %dot_general3A_18, %mul3A : vector<1000x128xf32>
    %swap3A = arith.constant 0 : index
    %swap3A_20 = arith.constant 0 : index
    %swap3A_21 = vector.load %arg4[%swap3A, %swap3A_20] : memref<1000x128xf32, #tpu.memory_space<vmem>>, vector<1000x128xf32>
    tpu.vector_store %arg4[%swap3A, %swap3A_20], %mul3A_19 {strides = array<i32>} : memref<1000x128xf32, #tpu.memory_space<vmem>>, vector<1000x128xf32>,
    return
  }
  func.func @transform_0(%arg0: i32) -> (i32, i32) {
    %c0_i32 = arith.constant 0 : i32
    %c0_i32_0 = arith.constant 0 : i32
    return %arg0, %c0_i32 : i32, i32
  }
  func.func @transform_1(%arg0: i32) -> (i32, i32) {
    %c0_i32 = arith.constant 0 : i32
    %c0_i32_0 = arith.constant 0 : i32
    %c0_i32_1 = arith.constant 0 : i32
    return %c0_i32, %c0_i32_0 : i32, i32
  }
  func.func @transform_2(%arg0: i32) -> (i32, i32, i32) {
    %c0_i32 = arith.constant 0 : i32
    %c0_i32_0 = arith.constant 0 : i32
    %c0_i32_1 = arith.constant 0 : i32
    return %c0_i32, %arg0, %c0_i32_0 : i32, i32, i32
  }
  func.func @transform_3(%arg0: i32) -> (i32, i32) {
    %c0_i32 = arith.constant 0 : i32
    %c0_i32_0 = arith.constant 0 : i32
    return %arg0, %c0_i32 : i32, i32
  }
}

module attributes {stable_mosaic.version = 14 : i64} {
  func.func @_t2_body(%arg0: i32, %arg1: memref<2x1000x128xf32, #tpu.memory_space<vmem>>, %arg2: memref<1000x128xf32, #tpu.memory_space<vmem>>, %arg3: memref<1x128xf32, #tpu.memory_space<vmem>>, %arg4: memref<128x64xf32, #tpu.memory_space<vmem>>, %arg5: memref<2x1000x16xf32, #tpu.memory_space<vmem>>, %arg6: memref<1000x64xf32, #tpu.memory_space<vmem>>) attributes {dimension_semantics = [#tpu.dimension_semantics<arbitrary>], iteration_bounds = array<i64: 10>, scalar_prefetch = 0 : i64, scratch_operands = 0 : i64, tpu.core_type = #tpu.core_type<tc>, window_params = [{transform_indices = @transform_0, window_bounds = array<i64: 2, 1000, 128>}, {transform_indices = @transform_1, window_bounds = array<i64: 1000, 128>}, {pipeline_mode = #tpu.pipeline_mode<synchronous>, transform_indices = @transform_2, window_bounds = array<i64: 1, 128>}, {pipeline_mode = #tpu.pipeline_mode<synchronous>, transform_indices = @transform_3, window_bounds = array<i64: 128, 64>}, {transform_indices = @transform_4, window_bounds = array<i64: 2, 1000, 16>}, {transform_indices = @transform_5, window_bounds = array<i64: 1000, 64>}]} {
    %get3A = arith.constant 0 : index
    %get3A_0 = arith.constant 0 : index
    %get3A_1 = arith.constant 0 : index
    %get3A_2 = vector.load %arg5[%get3A, %get3A_0, %get3A_1] : memref<2x1000x16xf32, #tpu.memory_space<vmem>>, vector<1x1000x1xf32>
    %get3A_3 = vector.shape_cast %get3A_2 : vector<1x1000x1xf32> to vector<1000x1xf32>
    %get3A_4 = arith.constant 1 : index
    %get3A_5 = arith.constant 0 : index
    %get3A_6 = arith.constant 0 : index
    %get3A_7 = vector.load %arg5[%get3A_4, %get3A_5, %get3A_6] : memref<2x1000x16xf32, #tpu.memory_space<vmem>>, vector<1x1000x1xf32>
    %get3A_8 = vector.shape_cast %get3A_7 : vector<1x1000x1xf32> to vector<1000x1xf32>
    %add3A = arith.addf %get3A_3, %get3A_8 : vector<1000x1xf32>
    %add3A_9 = arith.constant 1.000000e+00 : f32
    %add3A_10 = vector.broadcast %add3A_9 : f32 to vector<1000x1xf32>
    %add3A_11 = arith.addf %add3A, %add3A_10 : vector<1000x1xf32>
    %rsqrt3A = math.rsqrt %add3A_11 : vector<1000x1xf32>
    %get3A_12 = arith.constant 0 : index
    %get3A_13 = arith.constant 0 : index
    %get3A_14 = arith.constant 0 : index
    %get3A_15 = vector.load %arg1[%get3A_12, %get3A_13, %get3A_14] : memref<2x1000x128xf32, #tpu.memory_space<vmem>>, vector<1x1000x128xf32>
    %get3A_16 = vector.shape_cast %get3A_15 : vector<1x1000x128xf32> to vector<1000x128xf32>
    %get3A_17 = arith.constant 1 : index
    %get3A_18 = arith.constant 0 : index
    %get3A_19 = arith.constant 0 : index
    %get3A_20 = vector.load %arg1[%get3A_17, %get3A_18, %get3A_19] : memref<2x1000x128xf32, #tpu.memory_space<vmem>>, vector<1x1000x128xf32>
    %get3A_21 = vector.shape_cast %get3A_20 : vector<1x1000x128xf32> to vector<1000x128xf32>
    %add3A_22 = arith.addf %get3A_16, %get3A_21 : vector<1000x128xf32>
    %get3A_23 = arith.constant 0 : index
    %get3A_24 = arith.constant 0 : index
    %get3A_25 = vector.load %arg2[%get3A_23, %get3A_24] : memref<1000x128xf32, #tpu.memory_space<vmem>>, vector<1000x128xf32>
    %add3A_26 = arith.addf %add3A_22, %get3A_25 : vector<1000x128xf32>
    %mul3A = vector.broadcast %rsqrt3A : vector<1000x1xf32> to vector<1000x128xf32>
    %mul3A_27 = arith.mulf %add3A_26, %mul3A : vector<1000x128xf32>
    %get3A_28 = arith.constant 0 : index
    %get3A_29 = arith.constant 0 : index
    %get3A_30 = vector.load %arg3[%get3A_28, %get3A_29] : memref<1x128xf32, #tpu.memory_space<vmem>>, vector<1x128xf32>
    %add3A_31 = vector.broadcast %get3A_30 : vector<1x128xf32> to vector<1000x128xf32>
    %add3A_32 = arith.addf %mul3A_27, %add3A_31 : vector<1000x128xf32>
    %max3A = arith.constant 0.000000e+00 : f32
    %max3A_33 = vector.broadcast %max3A : f32 to vector<1000x128xf32>
    %max3A_34 = arith.maximumf %add3A_32, %max3A_33 : vector<1000x128xf32>
    %get3A_35 = arith.constant 0 : index
    %get3A_36 = arith.constant 0 : index
    %get3A_37 = vector.load %arg4[%get3A_35, %get3A_36] : memref<128x64xf32, #tpu.memory_space<vmem>>, vector<128x64xf32>
    %dot_general3A = arith.constant dense<0.000000e+00> : vector<1000x64xf32>
    %dot_general3A_38 = tpu.matmul %max3A_34, %get3A_37, %dot_general3A {dimension_numbers = #tpu.dot_dimension_numbers<[1], [0], [0], [1], [0, 0, 1, 1], [], []>, transpose_lhs_hint = false} : vector<1000x128xf32>, vector<128x64xf32>, vector<1000x64xf32> -> vector<1000x64xf32>
    %mul3A_39 = vector.broadcast %rsqrt3A : vector<1000x1xf32> to vector<1000x64xf32>
    %mul3A_40 = arith.mulf %dot_general3A_38, %mul3A_39 : vector<1000x64xf32>
    %swap3A = arith.constant 0 : index
    %swap3A_41 = arith.constant 0 : index
    %swap3A_42 = vector.load %arg6[%swap3A, %swap3A_41] : memref<1000x64xf32, #tpu.memory_space<vmem>>, vector<1000x64xf32>
    tpu.vector_store %arg6[%swap3A, %swap3A_41], %mul3A_40 {strides = array<i32>} : memref<1000x64xf32, #tpu.memory_space<vmem>>, vector<1000x64xf32>,
    return
  }
  func.func @transform_0(%arg0: i32) -> (i32, i32, i32) {
    %c0_i32 = arith.constant 0 : i32
    %c0_i32_0 = arith.constant 0 : i32
    %c0_i32_1 = arith.constant 0 : i32
    return %c0_i32, %arg0, %c0_i32_0 : i32, i32, i32
  }
  func.func @transform_1(%arg0: i32) -> (i32, i32) {
    %c0_i32 = arith.constant 0 : i32
    %c0_i32_0 = arith.constant 0 : i32
    return %arg0, %c0_i32 : i32, i32
  }
  func.func @transform_2(%arg0: i32) -> (i32, i32) {
    %c0_i32 = arith.constant 0 : i32
    %c0_i32_0 = arith.constant 0 : i32
    %c0_i32_1 = arith.constant 0 : i32
    return %c0_i32, %c0_i32_0 : i32, i32
  }
  func.func @transform_3(%arg0: i32) -> (i32, i32) {
    %c0_i32 = arith.constant 0 : i32
    %c0_i32_0 = arith.constant 0 : i32
    %c0_i32_1 = arith.constant 0 : i32
    return %c0_i32, %c0_i32_0 : i32, i32
  }
  func.func @transform_4(%arg0: i32) -> (i32, i32, i32) {
    %c0_i32 = arith.constant 0 : i32
    %c0_i32_0 = arith.constant 0 : i32
    %c0_i32_1 = arith.constant 0 : i32
    return %c0_i32, %arg0, %c0_i32_0 : i32, i32, i32
  }
  func.func @transform_5(%arg0: i32) -> (i32, i32) {
    %c0_i32 = arith.constant 0 : i32
    %c0_i32_0 = arith.constant 0 : i32
    return %arg0, %c0_i32 : i32, i32
  }
}

module attributes {stable_mosaic.version = 14 : i64} {
  func.func @_t3_body(%arg0: i32, %arg1: memref<2x1000x64xf32, #tpu.memory_space<vmem>>, %arg2: memref<1000x64xf32, #tpu.memory_space<vmem>>, %arg3: memref<1x64xf32, #tpu.memory_space<vmem>>, %arg4: memref<2x1000x16xf32, #tpu.memory_space<vmem>>, %arg5: memref<1000x64xf32, #tpu.memory_space<vmem>>) attributes {dimension_semantics = [#tpu.dimension_semantics<arbitrary>], iteration_bounds = array<i64: 10>, scalar_prefetch = 0 : i64, scratch_operands = 0 : i64, tpu.core_type = #tpu.core_type<tc>, window_params = [{transform_indices = @transform_0, window_bounds = array<i64: 2, 1000, 64>}, {transform_indices = @transform_1, window_bounds = array<i64: 1000, 64>}, {pipeline_mode = #tpu.pipeline_mode<synchronous>, transform_indices = @transform_2, window_bounds = array<i64: 1, 64>}, {transform_indices = @transform_3, window_bounds = array<i64: 2, 1000, 16>}, {transform_indices = @transform_4, window_bounds = array<i64: 1000, 64>}]} {
    %get3A = arith.constant 0 : index
    %get3A_0 = arith.constant 0 : index
    %get3A_1 = arith.constant 0 : index
    %get3A_2 = vector.load %arg4[%get3A, %get3A_0, %get3A_1] : memref<2x1000x16xf32, #tpu.memory_space<vmem>>, vector<1x1000x1xf32>
    %get3A_3 = vector.shape_cast %get3A_2 : vector<1x1000x1xf32> to vector<1000x1xf32>
    %get3A_4 = arith.constant 1 : index
    %get3A_5 = arith.constant 0 : index
    %get3A_6 = arith.constant 0 : index
    %get3A_7 = vector.load %arg4[%get3A_4, %get3A_5, %get3A_6] : memref<2x1000x16xf32, #tpu.memory_space<vmem>>, vector<1x1000x1xf32>
    %get3A_8 = vector.shape_cast %get3A_7 : vector<1x1000x1xf32> to vector<1000x1xf32>
    %add3A = arith.addf %get3A_3, %get3A_8 : vector<1000x1xf32>
    %add3A_9 = arith.constant 1.000000e+00 : f32
    %add3A_10 = vector.broadcast %add3A_9 : f32 to vector<1000x1xf32>
    %add3A_11 = arith.addf %add3A, %add3A_10 : vector<1000x1xf32>
    %rsqrt3A = math.rsqrt %add3A_11 : vector<1000x1xf32>
    %get3A_12 = arith.constant 0 : index
    %get3A_13 = arith.constant 0 : index
    %get3A_14 = arith.constant 0 : index
    %get3A_15 = vector.load %arg1[%get3A_12, %get3A_13, %get3A_14] : memref<2x1000x64xf32, #tpu.memory_space<vmem>>, vector<1x1000x64xf32>
    %get3A_16 = vector.shape_cast %get3A_15 : vector<1x1000x64xf32> to vector<1000x64xf32>
    %get3A_17 = arith.constant 1 : index
    %get3A_18 = arith.constant 0 : index
    %get3A_19 = arith.constant 0 : index
    %get3A_20 = vector.load %arg1[%get3A_17, %get3A_18, %get3A_19] : memref<2x1000x64xf32, #tpu.memory_space<vmem>>, vector<1x1000x64xf32>
    %get3A_21 = vector.shape_cast %get3A_20 : vector<1x1000x64xf32> to vector<1000x64xf32>
    %add3A_22 = arith.addf %get3A_16, %get3A_21 : vector<1000x64xf32>
    %get3A_23 = arith.constant 0 : index
    %get3A_24 = arith.constant 0 : index
    %get3A_25 = vector.load %arg2[%get3A_23, %get3A_24] : memref<1000x64xf32, #tpu.memory_space<vmem>>, vector<1000x64xf32>
    %add3A_26 = arith.addf %add3A_22, %get3A_25 : vector<1000x64xf32>
    %mul3A = vector.broadcast %rsqrt3A : vector<1000x1xf32> to vector<1000x64xf32>
    %mul3A_27 = arith.mulf %add3A_26, %mul3A : vector<1000x64xf32>
    %get3A_28 = arith.constant 0 : index
    %get3A_29 = arith.constant 0 : index
    %get3A_30 = vector.load %arg3[%get3A_28, %get3A_29] : memref<1x64xf32, #tpu.memory_space<vmem>>, vector<1x64xf32>
    %add3A_31 = vector.broadcast %get3A_30 : vector<1x64xf32> to vector<1000x64xf32>
    %add3A_32 = arith.addf %mul3A_27, %add3A_31 : vector<1000x64xf32>
    %swap3A = arith.constant 0 : index
    %swap3A_33 = arith.constant 0 : index
    %swap3A_34 = vector.load %arg5[%swap3A, %swap3A_33] : memref<1000x64xf32, #tpu.memory_space<vmem>>, vector<1000x64xf32>
    tpu.vector_store %arg5[%swap3A, %swap3A_33], %add3A_32 {strides = array<i32>} : memref<1000x64xf32, #tpu.memory_space<vmem>>, vector<1000x64xf32>,
    return
  }
  func.func @transform_0(%arg0: i32) -> (i32, i32, i32) {
    %c0_i32 = arith.constant 0 : i32
    %c0_i32_0 = arith.constant 0 : i32
    %c0_i32_1 = arith.constant 0 : i32
    return %c0_i32, %arg0, %c0_i32_0 : i32, i32, i32
  }
  func.func @transform_1(%arg0: i32) -> (i32, i32) {
    %c0_i32 = arith.constant 0 : i32
    %c0_i32_0 = arith.constant 0 : i32
    return %arg0, %c0_i32 : i32, i32
  }
  func.func @transform_2(%arg0: i32) -> (i32, i32) {
    %c0_i32 = arith.constant 0 : i32
    %c0_i32_0 = arith.constant 0 : i32
    %c0_i32_1 = arith.constant 0 : i32
    return %c0_i32, %c0_i32_0 : i32, i32
  }
  func.func @transform_3(%arg0: i32) -> (i32, i32, i32) {
    %c0_i32 = arith.constant 0 : i32
    %c0_i32_0 = arith.constant 0 : i32
    %c0_i32_1 = arith.constant 0 : i32
    return %c0_i32, %arg0, %c0_i32_0 : i32, i32, i32
  }
  func.func @transform_4(%arg0: i32) -> (i32, i32) {
    %c0_i32 = arith.constant 0 : i32
    %c0_i32_0 = arith.constant 0 : i32
    return %arg0, %c0_i32 : i32, i32
  }
}

</mosaic_0001>

<sc_bundles>
// kernel: _run.11.cloned.1.call-start
scs
__scs_entry_jumppad:
0x0: {  	(pc) =	sbr.rel $0x88, $3  }
0x1: {  	(tag) =	ssettag $0x0;
	lr =	simm.s32 $0x1  }
0x2: {  	[smem:$0x3F9B] =	sst lr;
	_ =	strace $0xD0000000  }
0x3: {  	_ = 	snop  }
0x4: {  	_ = 	snop  }
0x5: {  	_ = 	snop  }
0x6: {  	_ = 	snop  }
0x7: {  	_ = 	snop  }
__scs_overlays_trampoline_lowered:
0x8: {  	[smem:$0x3FAA] =	sst s0  }
0x9: {  	[smem:$0x3FAB] =	sst s1  }
0xa: {  	[smem:$0x3FAC] =	sst s2  }
0xb: {  	[smem:$0x3FAD] =	sst s3  }
0xc: {  	[smem:$0x3FAE] =	sst s4  }
0xd: {  	[smem:$0x3FAF] =	sst s5  }
0xe: {  	[smem:$0x3FB0] =	sst s6  }
0xf: {  	[smem:$0x3FB1] =	sst s7  }
0x10: {  	[smem:$0x3FB2] =	sst s8  }
0x11: {  	[smem:$0x3FB3] =	sst s9;
	s0 =	simm.s32 @!p0 $0x0  }
0x12: {  	s1 =	sld [smem:$0x3F99];
	s0 =	simm.s32 @p0 $0x1  }
0x13: {  	[smem:$0x3FB4] =	sst s0;
	s0 =	simm.s32 @!p1 $0x0  }
0x14: {  	s2 =	sld [smem:$0x3F98];
	s0 =	simm.s32 @p1 $0x1  }
0x15: {  	[smem:$0x3FB5] =	sst s0;
	s0 =	simm.s32 @!p2 $0x0  }
0x16: {  	s3 =	sld [smem:$0x3FDB];
	s0 =	simm.s32 @p2 $0x1  }
0x17: {  	s4 =	simm.s32 $0x1BF5;
	[smem:$0x3FB7] =	sst s0  }
0x18: {  	s0 =	sld [smem:$0x3F9A];
	_ =	swait.ge [sflag:s4], $0x0  }
0x19: {  	s7 =	sld [smem:$0x3F9B]  }
0x1a: {  	s8 =	sadd.s32 $0xFFFFE003, lr  }
0x1b: {  	s9 =	sadd.s32 $0xFFFFFEF7, lr;
	s5 =	simm.s32 $0xFFFFFFFF;
	p2 =	slt.u32 s8, $0xFFFFF086  }
0x1c: {  	p1 =	slt.u32 s9, $0xF7A;
	s5 =	simm.s32 @!p2 $0x0  }
0x1d: {  	s5 =	simm.s32 @p1 $0x1;
	p0 =	seq.s32 s7, s2  }
0x1e: {  	s7 =	smul.u32 @!p0 $0xF7A, s2;
	p2 =	seq.s32 @!p0 s5, $0x0  }
0x1f: {  	s9 =	smul.u32 $0xF7A, s1;
	s8 =	simm.s32 @!p0 $0x1BF5;
	p2 =	por !p2, p0  }
0x20: {  	[sflag:s8] =	ssyncset.s32 @!p0 $0xFFFFF086;
	s6 =	sadd.s32 @!p0 s3, s7;
	s7 =	simm.s32 @!p0 $0x108  }
0x21: {  	s3 =	sadd.s32 s3, s9;
	s6 =	sadd.s32 @!p0 $0x88, s6;
	s7 =	simm.s32 @p2 $0x1082  }
0x22: {  	[simem:s7], [sflag:s8] =	dma.local @!p0 [hbm:s6], $0xF7A  }
0x23: {  	s9 =	sor.u32 $0xD0000000, s2;
	s6 =	simm.s32 $0x108;
	_ =	swait.ge @!p0 [sflag:s8], $0x0  }
0x24: {  	s3 =	sadd.s32 $0x88, s3;
	s6 =	simm.s32 @!p1 $0x1082;
	[sflag:s4] =	ssyncset.s32 $0xFFFFF086  }
0x25: {  	[simem:s6], [sflag:s4] =	dma.local [hbm:s3], $0xF7A  }
0x26: {  	[smem:$0x3F9B] =	sst s1;
	(tag) =	ssettag s2;
	_ =	strace s9  }
0x27: {  	s1 =	sld [smem:$0x3FAB]  }
0x28: {  	s2 =	sld [smem:$0x3FAC]  }
0x29: {  	s4 =	sld [smem:$0x3FAE]  }
0x2a: {  	p0 =	seq.s32 s5, $0x0;
	s5 =	sld [smem:$0x3FAF]  }
0x2b: {  	s6 =	sld [smem:$0x3FB0]  }
0x2c: {  	s7 =	sld [smem:$0x3FB1]  }
0x2d: {  	s3 =	simm.s32 $0x108;
	s8 =	sld [smem:$0x3FB2]  }
0x2e: {  	s3 =	simm.s32 @!p0 $0x1082;
	s9 =	sld [smem:$0x3FB3]  }
0x2f: {  	lr =	sadd.s32 s0, s3;
	s0 =	sld [smem:$0x3FAA]  }
0x30: {  	s3 =	sld [smem:$0x3FAD]  }
0x31: {  	[smem:$0x3FB6] =	sst s10  }
0x32: {  	s10 =	sld [smem:$0x3FB4];
	_ =	sdelay $0x3  }
0x33: {  	p0 =	seq.s32 s10, $0x1;
	s10 =	sld [smem:$0x3FB6];
	_ =	sdelay $0x3  }
0x34: {  	[smem:$0x3FB6] =	sst s10  }
0x35: {  	s10 =	sld [smem:$0x3FB5];
	_ =	sdelay $0x3  }
0x36: {  	p1 =	seq.s32 s10, $0x1;
	s10 =	sld [smem:$0x3FB6];
	_ =	sdelay $0x3  }
0x37: {  	[smem:$0x3FB6] =	sst s10  }
0x38: {  	s10 =	sld [smem:$0x3FB7]  }
0x39: {  	_ = 	snop;
	(pc) =	sbr.ind lr, $3  }
0x3a: {  	_ = 	snop  }
0x3b: {  	_ = 	snop  }
0x3c: {  	p2 =	seq.s32 s10, $0x1;
	s10 =	sld [smem:$0x3FB6]  }
0x3d: {  	_ =	shalt  }
0x3e: {  	_ =	shalt  }
0x3f: {  	_ =	shalt  }
0x40: {  	_ =	shalt  }
0x41: {  	_ =	shalt  }
0x42: {  	_ =	shalt  }
0x43: {  	_ =	shalt  }
0x44: {  	_ =	shalt  }
0x45: {  	_ =	shalt  }
0x46: {  	_ =	shalt  }
0x47: {  	_ =	shalt  }
0x48: {  	_ =	shalt  }
0x49: {  	_ =	shalt  }
0x4a: {  	_ =	shalt  }
0x4b: {  	_ =	shalt  }
0x4c: {  	_ =	shalt  }
0x4d: {  	_ =	shalt  }
0x4e: {  	_ =	shalt  }
0x4f: {  	_ =	shalt  }
0x50: {  	_ =	shalt  }
0x51: {  	_ =	shalt  }
0x52: {  	_ =	shalt  }
0x53: {  	_ =	shalt  }
0x54: {  	_ =	shalt  }
0x55: {  	_ =	shalt  }
0x56: {  	_ =	shalt  }
0x57: {  	_ =	shalt  }
0x58: {  	_ =	shalt  }
0x59: {  	_ =	shalt  }
0x5a: {  	_ =	shalt  }
0x5b: {  	_ =	shalt  }
0x5c: {  	_ =	shalt  }
0x5d: {  	_ =	shalt  }
0x5e: {  	_ =	shalt  }
0x5f: {  	_ =	shalt  }
0x60: {  	_ =	shalt  }
0x61: {  	_ =	shalt  }
0x62: {  	_ =	shalt  }
0x63: {  	_ =	shalt  }
0x64: {  	_ =	shalt  }
0x65: {  	_ =	shalt  }
0x66: {  	_ =	shalt  }
0x67: {  	_ =	shalt  }
0x68: {  	_ =	shalt  }
0x69: {  	_ =	shalt  }
0x6a: {  	_ =	shalt  }
0x6b: {  	_ =	shalt  }
0x6c: {  	_ =	shalt  }
0x6d: {  	_ =	shalt  }
0x6e: {  	_ =	shalt  }
0x6f: {  	_ =	shalt  }
0x70: {  	_ =	shalt  }
0x71: {  	_ =	shalt  }
0x72: {  	_ =	shalt  }
0x73: {  	_ =	shalt  }
0x74: {  	_ =	shalt  }
0x75: {  	_ =	shalt  }
0x76: {  	_ =	shalt  }
0x77: {  	_ =	shalt  }
0x78: {  	_ =	shalt  }
0x79: {  	_ =	shalt  }
0x7a: {  	_ =	shalt  }
0x7b: {  	_ =	shalt  }
0x7c: {  	_ =	shalt  }
0x7d: {  	_ =	shalt  }
0x7e: {  	_ =	shalt  }
0x7f: {  	_ =	shalt  }
0x80: {  	_ =	shalt  }
0x81: {  	_ =	shalt  }
0x82: {  	_ =	shalt  }
0x83: {  	_ =	shalt  }
0x84: {  	_ =	shalt  }
0x85: {  	_ =	shalt  }
0x86: {  	_ =	shalt  }
0x87: {  	_ =	shalt  }
.Lfunc_end0:
.L_simem_size_0:
called_computation.1_lowered:
.L_overlay_start_0:
0x88: {  	s2 =	sld [smem:$0x3FD9]  }
0x89: {  	s3 =	sld [smem:$0x3FFE];
	_ =	sdelay $0x1  }
0x8a: {  	s1 =	srdreg.scid  }
0x8b: {  	s0 =	sand.u32 $0x1, s1  }
0x8c: {  	s17 =	sshll.u32 s0, $0xA;
	s2 =	sadd.s32 s3, s2  }
0x8d: {  	s2 =	sadd.s32 s2, s17  }
0x8e: {  	[smem:$0x3FC2] =	sst s2  }
0x8f: {  	_ = 	snop  }
0x90: {  	s2 =	sld [smem:$0x3FD0];
	(tm) =	ssettm $0x1  }
0x91: {  	s18 =	sld [smem:$0x3FFB];
	_ =	sdelay $0x3  }
0x92: {  	_ =	strace s18  }
0x93: {  	s3 =	sld [smem:$0x3FFC];
	_ =	sdelay $0x3  }
0x94: {  	_ =	strace s3  }
0x95: {  	s3 =	sld [smem:$0x3FFD];
	_ =	sdelay $0x3  }
0x96: {  	_ =	strace s3  }
0x97: {  	_ =	strace $0x8FFFFFFF  }
0x98: {  	s19 =	sld [smem:$0x3FDB];
	_ =	sdelay $0x1  }
0x99: {  	s4 =	simm.s32 $_scs_section_size  }
0x9a: {  	s5 =	simm.s32 $_size__tile_overlayer_lowered;
	s6 =	simm.s32 $_tile_overlayer_lowered  }
0x9b: {  	s22 =	simm.s32 $0x1BFF;
	s21 =	sshll.u32 s6, $0x1;
	s3 =	sadd.s32 s4, s19  }
0x9c: {  	s7 =	simm.s32 $0x0;
	s20 =	sshll.u32 s5, $0x1;
	s5 =	sadd.s32 s21, s3  }
0x9d: {  	[timem:s7], [sflag:s22] =	dma.local [hbm:s5], s20  }
0x9e: {  	_ =	swait.ge [sflag:s22], s20  }
0x9f: {  	s4 =	ssub.s32 $0x0, s20;
	[sflag:s22] =	ssyncset.done $0x0  }
0xa0: {  	[sflag:s22] =	ssyncadd.s32 s4;
	_ =	sdelay $0x1  }
0xa1: {  	s23 =	simm.s32 $0x1B8B  }
0xa2: {  	_ =	swait.ge [sflag:s23], $0x1  }
0xa3: {  	[sflag:s23] =	ssyncset.done $0x0  }
0xa4: {  	s25 =	simm.s32 $0x1B8E;
	s24 =	sld [smem:$0x3FFE];
	[sflag:s23] =	ssyncadd.s32 $0xFFFFFFFF  }
0xa5: {  	s26 =	simm.s32 $execute0_lowered;
	[smem:$0x3FD2] =	sst s25  }
0xa6: {  	s5 =	sshll.u32 s26, $0x1;
	_ =	strace $0x80000049;
	[dreg:$0x1] =	wrdreg $0xFFFFFFFF  }
0xa7: {  	s28 =	simm.s32 $_size_execute0_lowered;
	s3 =	sadd.s32 s3, s5;
	[dreg:$0x0] =	wrdreg $0x0  }
0xa8: {  	s5 =	sshll.u32 s28, $0x1;
	[dreg:$0x2] =	wrdreg s3  }
0xa9: {  	[dreg:$0x3] =	wrdreg s5  }
0xaa: {  	[dreg:$0x4] =	wrdreg $0xC0  }
0xab: {  	_ =	task [dreg:s7], $0x5FFFF  }
0xac: {  	[dreg:$0x1] =	wrdreg $0xFFFFFFFF  }
0xad: {  	[dreg:$0x0] =	wrdreg $0x60  }
0xae: {  	[dreg:$0x2] =	wrdreg s24  }
0xaf: {  	[dreg:$0x3] =	wrdreg s2  }
0xb0: {  	[dreg:$0x4] =	wrdreg $0xA8000  }
0xb1: {  	[dreg:$0x5] =	wrdreg $0x9  }
0xb2: {  	_ =	task.clear_ibuf [dreg:s7], $0x6FFFF;
	_ =	strace $0x90000049  }
0xb3: {  	s29 =	simm.s32 $0x9;
	_ =	strace $0x8000004B  }
0xb4: {  	_ =	swait.ge [sflag:s29], $0x1  }
0xb5: {  	[sflag:s29] =	ssyncadd.s32 $0xFFFFFFFF  }
0xb6: {  	_ =	strace $0x9000004B  }
0xb7: {  	_ =	sfence  }
0xb8: {  	s30 =	sld [smem:$0x0];
	_ =	sdelay $0x2  }
0xb9: {  	s31 =	sshll.u32 s1, $0xD;
	s1 =	sshrl.u32 s1, $0x2  }
0xba: {  	s3 =	sand.u32 $0x4000, s31;
	s1 =	sadd.s32 s1, s30  }
0xbb: {  	s0 =	sor.u32 s3, s0;
	s1 =	sshll.u32 s1, $0x11  }
0xbc: {  	s0 =	sor.u32 s1, s0  }
0xbd: {  	s0 =	sadd.s32 $0x8F2B, s0  }
0xbe: {  	[sflag:s0] =	ssyncadd.remote.s32 $0x1  }
0xbf: {  	_ =	sfence.sel $0xFFFF  }
0xc0: {  	[dreg:$0x0] =	wrdreg $0xFFFFFFFF;
	(pc) =	sbr.abs _section_cstart, $3  }
0xc1: {  	[dreg:$0x1] =	wrdreg $0xFFFFFFFF  }
0xc2: {  	_ =	task.clear_ibuf [dreg:s7], $0x2FFFF;
	_ =	strace $0x9FFFFFFF  }
0xc3: {  	(tm) =	ssettm $0x7FFFFFFF  }
tec
execute0_lowered:
.L_overlay_start_1:
0x0: {  	(tag) =	ssettag $0x1  }
0x1: {  	s6 =	rddreg [dreg:$0x0]  }
0x2: {  	s2 =	rddreg [dreg:$0x1];
	s1 =	srdreg.scid  }
0x3: {  	s0 =	stileid.u32;
	s3 =	rddreg [dreg:$0x2]  }
0x4: {  	s4 =	simm.s32 $0x0;
	s18 =	simm.s32 $0x2800;
	s19 =	simm.s32 $0x1  }
0x5: {  	s7 =	sand.u32 $0x1, s1;
	s1 =	rddreg [dreg:$0x3];
	s10 =	smul.u32 $0x50000, s0  }
0x6: {  	s5 =	sshll.u32 s0, $0x1;
	[smem:$0x7FF] =	sst s4;
	s12 =	smul.u32 $0x14000, s0  }
0x7: {  	s31 =	sshll.u32 s0, $0x6;
	s5 =	sor.u32 s7, s5;
	s9 =	smul.u32 $0x28000, s7  }
0x8: {  	_ =	strace $0x8000004A;
	s7 =	ssub.s32 $0x2, s7;
	s8 =	smul.u32 $0x500, s5  }
0x9: {  	s5 =	sadd.s32 $0x66800, s6;
	s11 =	sshrl.u32 s7, $0x1;
	s29 =	sshrl.u32 s10, $0x2  }
0xa: {  	s30 =	sadd.s32 s12, s3;
	s23 =	sshrl.u32 s12, $0x3;
	s9 =	sadd.s32 s9, s6  }
0xb: {  	s11 =	ssub.s32 s7, s11;
	s13 =	sadd.s32 s29, s3;
	s10 =	sshrl.u32 s30, $0x3  }
0xc: {  	s8 =	sadd.s32 s8, s6;
	s6 =	sor.u32 $0x1C02, s31;
	s14 =	sadd.s32 $0x4000, s13  }
0xd: {  	s15 =	sadd.s32 $0x8000, s13;
	s16 =	sadd.s32 $0xC000, s13;
	s17 =	sadd.s32 $0x10000, s13  }
0xe: {  	s22 =	sadd.s32 $0x8DA00, s9;
	s9 =	smax.u32 s11, $0x1;
	s11 =	simm.s32 $0x2  }
0xf: {  	s7 =	sadd.s32 $0xC800, s8;
	s8 =	sadd.s32 $0x2200, s8;
	s12 =	sshrl.u32 s14, $0x3  }
0x10: {  	s13 =	sshrl.u32 s15, $0x3;
	s14 =	sshrl.u32 s16, $0x3;
	s15 =	sshrl.u32 s17, $0x3  }
0x11: {  	s16 =	simm.s32 $0x1400;
	s17 =	simm.s32 $0x100;
	s22 =	sadd.s32 s23, s22  }
0x12: {  	s23 =	simm.s32 $0x0;
	s20 =	sadd.s32 $0x280, s7;
	s21 =	sadd.s32 $0x280, s8  }
.LBB2_1:
0x13: {  	[spmem:s10], [sflag:s6] =	dma.local [hbm:s2], $0x800  }
0x14: {  	_ =	swait.ge [sflag:s11], $0x800  }
0x15: {  	[sflag:s11] =	ssyncset.done $0x0  }
0x16: {  	[sflag:s11] =	ssyncadd.s32 $0xFFFFF800  }
0x17: {  	[spmem:s12], [sflag:s6] =	dma.local [hbm:s2], $0x800  }
0x18: {  	_ =	swait.ge [sflag:s11], $0x800  }
0x19: {  	[sflag:s11] =	ssyncset.done $0x0  }
0x1a: {  	[sflag:s11] =	ssyncadd.s32 $0xFFFFF800  }
0x1b: {  	[spmem:s13], [sflag:s6] =	dma.local [hbm:s2], $0x800  }
0x1c: {  	_ =	swait.ge [sflag:s11], $0x800  }
0x1d: {  	[sflag:s11] =	ssyncset.done $0x0  }
0x1e: {  	[sflag:s11] =	ssyncadd.s32 $0xFFFFF800  }
0x1f: {  	[spmem:s14], [sflag:s6] =	dma.local [hbm:s2], $0x800  }
0x20: {  	_ =	swait.ge [sflag:s11], $0x800  }
0x21: {  	[sflag:s11] =	ssyncset.done $0x0  }
0x22: {  	[sflag:s11] =	ssyncadd.s32 $0xFFFFF800  }
0x23: {  	[spmem:s15], [sflag:s6] =	dma.local [hbm:s2], $0x800  }
0x24: {  	_ =	swait.ge [sflag:s11], $0x800  }
0x25: {  	[sflag:s11] =	ssyncset.done $0x0  }
0x26: {  	[sflag:s11] =	ssyncadd.s32 $0xFFFFF800  }
0x27: {  	[bflag:$0x0] =	sbarrier.arrive $0xFFFF  }
0x28: {  	[tilespmem:s4], [sflag:$0x2] =	stream.linear.gather [hbm4b:s7+s4], $0x1400, $0x38;
	[tilespmem:$0x1E800] =	vst v63  }
0x29: {  	_ =	swait.ge [sflag:s11], $0x1400  }
0x2a: {  	[sflag:s11] =	ssyncset.done $0x0  }
0x2b: {  	[sflag:s11] =	ssyncadd.s32 $0xFFFFEC00  }
0x2c: {  	[tilespmem:s16], [sflag:$0x2] =	stream.linear.gather [hbm4b:s8+s4], $0x1400, $0x38;
	[tilespmem:$0x1E800] =	vst v63  }
0x2d: {  	_ =	swait.ge [sflag:s11], $0x1400  }
0x2e: {  	[sflag:s11] =	ssyncset.done $0x0  }
0x2f: {  	s24 =	simm.s32 $0x0;
	[sflag:s11] =	ssyncadd.s32 $0xFFFFEC00  }
0x30: {  	[tilespmem:s18], [sflag:$0x1] =	stream.indirect.gather [hbm4b:s5+s17], $0x80, s24, s17, $0xb8;
	[tilespmem:$0x1E800] =	vst v63  }
0x31: {  	_ =	swait.ge [sflag:s19], $0x8000  }
0x32: {  	[sflag:s19] =	ssyncset.done $0x0  }
0x33: {  	s31 =	simm.s32 $0x1400;
	[sflag:s19] =	ssyncadd.s32 $0xFFFF8000  }
0x34: {  	[spmem:s3] =	stream.indirect.scatter.add.f32 [tilespmem:s18], [sflag:$0x2], $0x80, s31, s17, $0xb8;
	[tilespmem:$0x1E800] =	vst v63  }
0x35: {  	_ =	swait.ge [sflag:s11], $0x8000  }
0x36: {  	s25 =	simm.s32 $0x800;
	s24 =	simm.s32 $0x400;
	[sflag:s11] =	ssyncset.done $0x0  }
.LBB2_2:
0x37: {  	s26 =	sshra.s32 s24, $0x2  }
0x38: {  	[sflag:s11] =	ssyncadd.s32 $0xFFFF8000;
	s24 =	smov.u32 s25;
	s28 =	sadd.s32 $0x400, s25  }
0x39: {  	[tilespmem:s18], [sflag:$0x1] =	stream.indirect.gather [hbm4b:s5+s17], $0x80, s26, s17, $0xb8;
	[tilespmem:$0x1E800] =	vst v63  }
0x3a: {  	p0 =	sne.s32 s25, $0x4C00;
	_ =	swait.ge [sflag:s19], $0x8000  }
.Ltmp0:
0x3b: {  	[sflag:s19] =	ssyncset.done $0x0;
	(pc) =	sbr.rel @p0 .LBB2_2-.Ltmp0, $4  }
0x3c: {  	s25 =	sadd.s32 $0x1400, s26;
	[sflag:s19] =	ssyncadd.s32 $0xFFFF8000  }
0x3d: {  	[spmem:s3] =	stream.indirect.scatter.add.f32 [tilespmem:s18], [sflag:$0x2], $0x80, s25, s17, $0xb8;
	[tilespmem:$0x1E800] =	vst v63  }
0x3e: {  	_ =	swait.ge [sflag:s11], $0x8000  }
0x3f: {  	s25 =	smov.u32 s28;
	[sflag:s11] =	ssyncset.done $0x0  }
0x40: {  	s24 =	sshra.s32 s24, $0x2;
	[sflag:s11] =	ssyncadd.s32 $0xFFFF8000  }
0x41: {  	[tilespmem:s18], [sflag:$0x1] =	stream.indirect.gather [hbm4b:s5+s17], $0x80, s24, s17, $0xb8;
	[tilespmem:$0x1E800] =	vst v63  }
0x42: {  	_ =	swait.ge [sflag:s19], $0x8000  }
0x43: {  	[sflag:s19] =	ssyncset.done $0x0  }
0x44: {  	s24 =	sadd.s32 $0x1400, s24;
	[sflag:s19] =	ssyncadd.s32 $0xFFFF8000  }
0x45: {  	[spmem:s3] =	stream.indirect.scatter.add.f32 [tilespmem:s18], [sflag:$0x2], $0x80, s24, s17, $0xb8;
	[tilespmem:$0x1E800] =	vst v63  }
0x46: {  	_ =	swait.ge [sflag:s11], $0x8000  }
0x47: {  	[sflag:s11] =	ssyncset.done $0x0  }
0x48: {  	s29 =	simm.s32 $0x0;
	[sflag:s11] =	ssyncadd.s32 $0xFFFF8000  }
0x49: {  	[tilespmem:s29], [sflag:$0x2] =	stream.linear.gather [hbm4b:s20+s29], $0x1400, $0x38;
	[tilespmem:$0x1E800] =	vst v63  }
0x4a: {  	_ =	swait.ge [sflag:s11], $0x1400  }
0x4b: {  	[sflag:s11] =	ssyncset.done $0x0  }
0x4c: {  	[sflag:s11] =	ssyncadd.s32 $0xFFFFEC00  }
0x4d: {  	[tilespmem:s16], [sflag:$0x2] =	stream.linear.gather [hbm4b:s21+s29], $0x1400, $0x38;
	[tilespmem:$0x1E800] =	vst v63  }
0x4e: {  	_ =	swait.ge [sflag:s11], $0x1400  }
0x4f: {  	[sflag:s11] =	ssyncset.done $0x0  }
0x50: {  	s30 =	simm.s32 $0x0;
	[sflag:s11] =	ssyncadd.s32 $0xFFFFEC00  }
0x51: {  	[tilespmem:s18], [sflag:$0x1] =	stream.indirect.gather [hbm4b:s5+s17], $0x80, s30, s17, $0xb8;
	[tilespmem:$0x1E800] =	vst v63  }
0x52: {  	_ =	swait.ge [sflag:s19], $0x8000  }
0x53: {  	[sflag:s19] =	ssyncset.done $0x0  }
0x54: {  	s31 =	simm.s32 $0x1400;
	[sflag:s19] =	ssyncadd.s32 $0xFFFF8000  }
0x55: {  	[spmem:s3] =	stream.indirect.scatter.add.f32 [tilespmem:s18], [sflag:$0x2], $0x80, s31, s17, $0xb8;
	[tilespmem:$0x1E800] =	vst v63  }
0x56: {  	_ =	swait.ge [sflag:s11], $0x8000  }
0x57: {  	s25 =	simm.s32 $0x800;
	s24 =	simm.s32 $0x400;
	[sflag:s11] =	ssyncset.done $0x0  }
.LBB2_4:
0x58: {  	s26 =	sshra.s32 s24, $0x2  }
0x59: {  	[sflag:s11] =	ssyncadd.s32 $0xFFFF8000;
	s24 =	smov.u32 s25;
	s28 =	sadd.s32 $0x400, s25  }
0x5a: {  	[tilespmem:s18], [sflag:$0x1] =	stream.indirect.gather [hbm4b:s5+s17], $0x80, s26, s17, $0xb8;
	[tilespmem:$0x1E800] =	vst v63  }
0x5b: {  	p0 =	sne.s32 s25, $0x4C00;
	_ =	swait.ge [sflag:s19], $0x8000  }
.Ltmp1:
0x5c: {  	[sflag:s19] =	ssyncset.done $0x0;
	(pc) =	sbr.rel @p0 .LBB2_4-.Ltmp1, $4  }
0x5d: {  	s25 =	sadd.s32 $0x1400, s26;
	[sflag:s19] =	ssyncadd.s32 $0xFFFF8000  }
0x5e: {  	[spmem:s3] =	stream.indirect.scatter.add.f32 [tilespmem:s18], [sflag:$0x2], $0x80, s25, s17, $0xb8;
	[tilespmem:$0x1E800] =	vst v63  }
0x5f: {  	_ =	swait.ge [sflag:s11], $0x8000  }
0x60: {  	s25 =	smov.u32 s28;
	[sflag:s11] =	ssyncset.done $0x0  }
0x61: {  	s24 =	sshra.s32 s24, $0x2;
	[sflag:s11] =	ssyncadd.s32 $0xFFFF8000  }
0x62: {  	[tilespmem:s18], [sflag:$0x1] =	stream.indirect.gather [hbm4b:s5+s17], $0x80, s24, s17, $0xb8;
	[tilespmem:$0x1E800] =	vst v63  }
0x63: {  	_ =	swait.ge [sflag:s19], $0x8000  }
0x64: {  	[sflag:s19] =	ssyncset.done $0x0  }
0x65: {  	s24 =	sadd.s32 $0x1400, s24;
	[sflag:s19] =	ssyncadd.s32 $0xFFFF8000  }
0x66: {  	[spmem:s3] =	stream.indirect.scatter.add.f32 [tilespmem:s18], [sflag:$0x2], $0x80, s24, s17, $0xb8;
	[tilespmem:$0x1E800] =	vst v63  }
0x67: {  	_ =	swait.ge [sflag:s11], $0x8000  }
0x68: {  	s23 =	sadd.s32 $0x1, s23;
	[sflag:s11] =	ssyncset.done $0x0  }
0x69: {  	p0 =	sne.s32 s23, s9;
	[sflag:s11] =	ssyncadd.s32 $0xFFFF8000  }
.Ltmp2:
0x6a: {  	[bflag:$0x0] =	sbarrier.arrive $0xFFFF;
	(pc) =	sbr.rel @p0 .LBB2_1-.Ltmp2, $4  }
0x6b: {  	[hbm:s22], [sflag:s6] =	dma.local [spmem:s10], $0x2800  }
0x6c: {  	_ =	swait.ge [sflag:s11], $0x2800  }
0x6d: {  	[sflag:s11] =	ssyncset.done $0x0  }
0x6e: {  	[sflag:s11] =	ssyncadd.s32 $0xFFFFD800  }
0x6f: {  	_ =	sfence.sel $0x180000  }
0x70: {  	[bflag:$0x0] =	sbarrier.arrive $0xFFFF  }
0x71: {  	p0 =	sne.s32 s0, $0x0;
	_ =	strace $0x9000004A  }
0x72: {  	s0 =	sadd.s32 @!p0 $0x100000, s1;
	[bflag:$0x2] =	sbarrier.arrive $0xFFFF  }
0x73: {  	[sflag:s0] =	ssyncadd.tile.s32 @!p0 $0x1;
	_ =	shalt  }
.Lfunc_end2:
_tile_overlayer_lowered:
.L_overlay_start_2:
0x74: {  	(tag) =	ssettag $0x2  }
0x75: {  	s0 =	rddreg [dreg:$0x0];
	s2 =	stileid.u32  }
0x76: {  	s1 =	rddreg [dreg:$0x1];
	p0 =	sne.s32 s2, $0x0  }
0x77: {  	s3 =	rddreg [dreg:$0x2];
	[bflag:$0x3] =	sbarrier.arrive $0xFFFF;
	s2 =	simm.s32 @!p0 $0x1C02  }
0x78: {  	[timem:s3], [sflag:s2] =	dma.local @!p0 [hbm:s0], s1  }
0x79: {  	s0 =	simm.s32 @!p0 $0x2  }
0x7a: {  	_ =	swait.ge @!p0 [sflag:s0], s1  }
0x7b: {  	s1 =	ssub.s32 @!p0 $0x0, s1;
	[sflag:s0] =	ssyncset.done @!p0 $0x0  }
0x7c: {  	[sflag:s0] =	ssyncadd.s32 @!p0 s1  }
0x7d: {  	[bflag:$0x3] =	sbarrier.arrive $0xFFFF  }
0x7e: {  	_ =	shalt  }

// kernel: _run.14.cloned.1.call-start
scs
__scs_entry_jumppad:
0x0: {  	(pc) =	sbr.rel $0x88, $3  }
0x1: {  	(tag) =	ssettag $0x0;
	lr =	simm.s32 $0x1  }
0x2: {  	[smem:$0x3F9B] =	sst lr;
	_ =	strace $0xD0000000  }
0x3: {  	_ = 	snop  }
0x4: {  	_ = 	snop  }
0x5: {  	_ = 	snop  }
0x6: {  	_ = 	snop  }
0x7: {  	_ = 	snop  }
__scs_overlays_trampoline_lowered:
0x8: {  	[smem:$0x3FAA] =	sst s0  }
0x9: {  	[smem:$0x3FAB] =	sst s1  }
0xa: {  	[smem:$0x3FAC] =	sst s2  }
0xb: {  	[smem:$0x3FAD] =	sst s3  }
0xc: {  	[smem:$0x3FAE] =	sst s4  }
0xd: {  	[smem:$0x3FAF] =	sst s5  }
0xe: {  	[smem:$0x3FB0] =	sst s6  }
0xf: {  	[smem:$0x3FB1] =	sst s7  }
0x10: {  	[smem:$0x3FB2] =	sst s8  }
0x11: {  	[smem:$0x3FB3] =	sst s9;
	s0 =	simm.s32 @!p0 $0x0  }
0x12: {  	s1 =	sld [smem:$0x3F99];
	s0 =	simm.s32 @p0 $0x1  }
0x13: {  	[smem:$0x3FB4] =	sst s0;
	s0 =	simm.s32 @!p1 $0x0  }
0x14: {  	s2 =	sld [smem:$0x3F98];
	s0 =	simm.s32 @p1 $0x1  }
0x15: {  	[smem:$0x3FB5] =	sst s0;
	s0 =	simm.s32 @!p2 $0x0  }
0x16: {  	s3 =	sld [smem:$0x3FDB];
	s0 =	simm.s32 @p2 $0x1  }
0x17: {  	s4 =	simm.s32 $0x1BF5;
	[smem:$0x3FB7] =	sst s0  }
0x18: {  	s0 =	sld [smem:$0x3F9A];
	_ =	swait.ge [sflag:s4], $0x0  }
0x19: {  	s7 =	sld [smem:$0x3F9B]  }
0x1a: {  	s8 =	sadd.s32 $0xFFFFE003, lr  }
0x1b: {  	s9 =	sadd.s32 $0xFFFFFEF7, lr;
	s5 =	simm.s32 $0xFFFFFFFF;
	p2 =	slt.u32 s8, $0xFFFFF086  }
0x1c: {  	p1 =	slt.u32 s9, $0xF7A;
	s5 =	simm.s32 @!p2 $0x0  }
0x1d: {  	s5 =	simm.s32 @p1 $0x1;
	p0 =	seq.s32 s7, s2  }
0x1e: {  	s7 =	smul.u32 @!p0 $0xF7A, s2;
	p2 =	seq.s32 @!p0 s5, $0x0  }
0x1f: {  	s9 =	smul.u32 $0xF7A, s1;
	s8 =	simm.s32 @!p0 $0x1BF5;
	p2 =	por !p2, p0  }
0x20: {  	[sflag:s8] =	ssyncset.s32 @!p0 $0xFFFFF086;
	s6 =	sadd.s32 @!p0 s3, s7;
	s7 =	simm.s32 @!p0 $0x108  }
0x21: {  	s3 =	sadd.s32 s3, s9;
	s6 =	sadd.s32 @!p0 $0x88, s6;
	s7 =	simm.s32 @p2 $0x1082  }
0x22: {  	[simem:s7], [sflag:s8] =	dma.local @!p0 [hbm:s6], $0xF7A  }
0x23: {  	s9 =	sor.u32 $0xD0000000, s2;
	s6 =	simm.s32 $0x108;
	_ =	swait.ge @!p0 [sflag:s8], $0x0  }
0x24: {  	s3 =	sadd.s32 $0x88, s3;
	s6 =	simm.s32 @!p1 $0x1082;
	[sflag:s4] =	ssyncset.s32 $0xFFFFF086  }
0x25: {  	[simem:s6], [sflag:s4] =	dma.local [hbm:s3], $0xF7A  }
0x26: {  	[smem:$0x3F9B] =	sst s1;
	(tag) =	ssettag s2;
	_ =	strace s9  }
0x27: {  	s1 =	sld [smem:$0x3FAB]  }
0x28: {  	s2 =	sld [smem:$0x3FAC]  }
0x29: {  	s4 =	sld [smem:$0x3FAE]  }
0x2a: {  	p0 =	seq.s32 s5, $0x0;
	s5 =	sld [smem:$0x3FAF]  }
0x2b: {  	s6 =	sld [smem:$0x3FB0]  }
0x2c: {  	s7 =	sld [smem:$0x3FB1]  }
0x2d: {  	s3 =	simm.s32 $0x108;
	s8 =	sld [smem:$0x3FB2]  }
0x2e: {  	s3 =	simm.s32 @!p0 $0x1082;
	s9 =	sld [smem:$0x3FB3]  }
0x2f: {  	lr =	sadd.s32 s0, s3;
	s0 =	sld [smem:$0x3FAA]  }
0x30: {  	s3 =	sld [smem:$0x3FAD]  }
0x31: {  	[smem:$0x3FB6] =	sst s10  }
0x32: {  	s10 =	sld [smem:$0x3FB4];
	_ =	sdelay $0x3  }
0x33: {  	p0 =	seq.s32 s10, $0x1;
	s10 =	sld [smem:$0x3FB6];
	_ =	sdelay $0x3  }
0x34: {  	[smem:$0x3FB6] =	sst s10  }
0x35: {  	s10 =	sld [smem:$0x3FB5];
	_ =	sdelay $0x3  }
0x36: {  	p1 =	seq.s32 s10, $0x1;
	s10 =	sld [smem:$0x3FB6];
	_ =	sdelay $0x3  }
0x37: {  	[smem:$0x3FB6] =	sst s10  }
0x38: {  	s10 =	sld [smem:$0x3FB7]  }
0x39: {  	_ = 	snop;
	(pc) =	sbr.ind lr, $3  }
0x3a: {  	_ = 	snop  }
0x3b: {  	_ = 	snop  }
0x3c: {  	p2 =	seq.s32 s10, $0x1;
	s10 =	sld [smem:$0x3FB6]  }
0x3d: {  	_ =	shalt  }
0x3e: {  	_ =	shalt  }
0x3f: {  	_ =	shalt  }
0x40: {  	_ =	shalt  }
0x41: {  	_ =	shalt  }
0x42: {  	_ =	shalt  }
0x43: {  	_ =	shalt  }
0x44: {  	_ =	shalt  }
0x45: {  	_ =	shalt  }
0x46: {  	_ =	shalt  }
0x47: {  	_ =	shalt  }
0x48: {  	_ =	shalt  }
0x49: {  	_ =	shalt  }
0x4a: {  	_ =	shalt  }
0x4b: {  	_ =	shalt  }
0x4c: {  	_ =	shalt  }
0x4d: {  	_ =	shalt  }
0x4e: {  	_ =	shalt  }
0x4f: {  	_ =	shalt  }
0x50: {  	_ =	shalt  }
0x51: {  	_ =	shalt  }
0x52: {  	_ =	shalt  }
0x53: {  	_ =	shalt  }
0x54: {  	_ =	shalt  }
0x55: {  	_ =	shalt  }
0x56: {  	_ =	shalt  }
0x57: {  	_ =	shalt  }
0x58: {  	_ =	shalt  }
0x59: {  	_ =	shalt  }
0x5a: {  	_ =	shalt  }
0x5b: {  	_ =	shalt  }
0x5c: {  	_ =	shalt  }
0x5d: {  	_ =	shalt  }
0x5e: {  	_ =	shalt  }
0x5f: {  	_ =	shalt  }
0x60: {  	_ =	shalt  }
0x61: {  	_ =	shalt  }
0x62: {  	_ =	shalt  }
0x63: {  	_ =	shalt  }
0x64: {  	_ =	shalt  }
0x65: {  	_ =	shalt  }
0x66: {  	_ =	shalt  }
0x67: {  	_ =	shalt  }
0x68: {  	_ =	shalt  }
0x69: {  	_ =	shalt  }
0x6a: {  	_ =	shalt  }
0x6b: {  	_ =	shalt  }
0x6c: {  	_ =	shalt  }
0x6d: {  	_ =	shalt  }
0x6e: {  	_ =	shalt  }
0x6f: {  	_ =	shalt  }
0x70: {  	_ =	shalt  }
0x71: {  	_ =	shalt  }
0x72: {  	_ =	shalt  }
0x73: {  	_ =	shalt  }
0x74: {  	_ =	shalt  }
0x75: {  	_ =	shalt  }
0x76: {  	_ =	shalt  }
0x77: {  	_ =	shalt  }
0x78: {  	_ =	shalt  }
0x79: {  	_ =	shalt  }
0x7a: {  	_ =	shalt  }
0x7b: {  	_ =	shalt  }
0x7c: {  	_ =	shalt  }
0x7d: {  	_ =	shalt  }
0x7e: {  	_ =	shalt  }
0x7f: {  	_ =	shalt  }
0x80: {  	_ =	shalt  }
0x81: {  	_ =	shalt  }
0x82: {  	_ =	shalt  }
0x83: {  	_ =	shalt  }
0x84: {  	_ =	shalt  }
0x85: {  	_ =	shalt  }
0x86: {  	_ =	shalt  }
0x87: {  	_ =	shalt  }
.Lfunc_end0:
.L_simem_size_0:
called_computation.2_lowered:
.L_overlay_start_0:
0x88: {  	s2 =	sld [smem:$0x3FD9]  }
0x89: {  	s3 =	sld [smem:$0x3FFE];
	_ =	sdelay $0x1  }
0x8a: {  	s1 =	srdreg.scid  }
0x8b: {  	s0 =	sand.u32 $0x1, s1  }
0x8c: {  	s17 =	sshll.u32 s0, $0xA;
	s2 =	sadd.s32 s3, s2  }
0x8d: {  	s2 =	sadd.s32 s2, s17  }
0x8e: {  	[smem:$0x3FC2] =	sst s2  }
0x8f: {  	_ = 	snop  }
0x90: {  	s2 =	sld [smem:$0x3FD0];
	(tm) =	ssettm $0x1  }
0x91: {  	s18 =	sld [smem:$0x3FFB];
	_ =	sdelay $0x3  }
0x92: {  	_ =	strace s18  }
0x93: {  	s3 =	sld [smem:$0x3FFC];
	_ =	sdelay $0x3  }
0x94: {  	_ =	strace s3  }
0x95: {  	s3 =	sld [smem:$0x3FFD];
	_ =	sdelay $0x3  }
0x96: {  	_ =	strace s3  }
0x97: {  	_ =	strace $0x8FFFFFFF  }
0x98: {  	s19 =	sld [smem:$0x3FDB];
	_ =	sdelay $0x1  }
0x99: {  	s4 =	simm.s32 $_scs_section_size  }
0x9a: {  	s5 =	simm.s32 $_size__tile_overlayer_lowered;
	s6 =	simm.s32 $_tile_overlayer_lowered  }
0x9b: {  	s22 =	simm.s32 $0x1BFF;
	s21 =	sshll.u32 s6, $0x1;
	s3 =	sadd.s32 s4, s19  }
0x9c: {  	s7 =	simm.s32 $0x0;
	s20 =	sshll.u32 s5, $0x1;
	s5 =	sadd.s32 s21, s3  }
0x9d: {  	[timem:s7], [sflag:s22] =	dma.local [hbm:s5], s20  }
0x9e: {  	_ =	swait.ge [sflag:s22], s20  }
0x9f: {  	s4 =	ssub.s32 $0x0, s20;
	[sflag:s22] =	ssyncset.done $0x0  }
0xa0: {  	[sflag:s22] =	ssyncadd.s32 s4;
	_ =	sdelay $0x1  }
0xa1: {  	s23 =	simm.s32 $0x1B8B  }
0xa2: {  	_ =	swait.ge [sflag:s23], $0x1  }
0xa3: {  	[sflag:s23] =	ssyncset.done $0x0  }
0xa4: {  	s25 =	simm.s32 $0x1B8E;
	s24 =	sld [smem:$0x3FFE];
	[sflag:s23] =	ssyncadd.s32 $0xFFFFFFFF  }
0xa5: {  	s26 =	simm.s32 $execute0_lowered;
	[smem:$0x3FD2] =	sst s25  }
0xa6: {  	s5 =	sshll.u32 s26, $0x1;
	_ =	strace $0x8000004C;
	[dreg:$0x1] =	wrdreg $0xFFFFFFFF  }
0xa7: {  	s28 =	simm.s32 $_size_execute0_lowered;
	s3 =	sadd.s32 s3, s5;
	[dreg:$0x0] =	wrdreg $0x0  }
0xa8: {  	s5 =	sshll.u32 s28, $0x1;
	[dreg:$0x2] =	wrdreg s3  }
0xa9: {  	[dreg:$0x3] =	wrdreg s5  }
0xaa: {  	[dreg:$0x4] =	wrdreg $0xC0  }
0xab: {  	_ =	task [dreg:s7], $0x5FFFF  }
0xac: {  	[dreg:$0x1] =	wrdreg $0xFFFFFFFF  }
0xad: {  	[dreg:$0x0] =	wrdreg $0x60  }
0xae: {  	[dreg:$0x2] =	wrdreg s2  }
0xaf: {  	[dreg:$0x3] =	wrdreg s24  }
0xb0: {  	[dreg:$0x4] =	wrdreg $0x12C800  }
0xb1: {  	[dreg:$0x5] =	wrdreg $0x90000  }
0xb2: {  	[dreg:$0x6] =	wrdreg $0x9  }
0xb3: {  	_ =	task.clear_ibuf [dreg:s7], $0x7FFFF;
	_ =	strace $0x9000004C  }
0xb4: {  	s29 =	simm.s32 $0x9;
	_ =	strace $0x8000004E  }
0xb5: {  	_ =	swait.ge [sflag:s29], $0x1  }
0xb6: {  	[sflag:s29] =	ssyncadd.s32 $0xFFFFFFFF  }
0xb7: {  	_ =	strace $0x9000004E  }
0xb8: {  	_ =	sfence  }
0xb9: {  	s30 =	sld [smem:$0x0];
	_ =	sdelay $0x2  }
0xba: {  	s31 =	sshll.u32 s1, $0xD;
	s1 =	sshrl.u32 s1, $0x2  }
0xbb: {  	s3 =	sand.u32 $0x4000, s31;
	s1 =	sadd.s32 s1, s30  }
0xbc: {  	s0 =	sor.u32 s3, s0;
	s1 =	sshll.u32 s1, $0x11  }
0xbd: {  	s0 =	sor.u32 s1, s0  }
0xbe: {  	s0 =	sadd.s32 $0x8F2B, s0  }
0xbf: {  	[sflag:s0] =	ssyncadd.remote.s32 $0x1  }
0xc0: {  	_ =	sfence.sel $0xFFFF  }
0xc1: {  	[dreg:$0x0] =	wrdreg $0xFFFFFFFF;
	(pc) =	sbr.abs _section_cstart, $3  }
0xc2: {  	[dreg:$0x1] =	wrdreg $0xFFFFFFFF  }
0xc3: {  	_ =	task.clear_ibuf [dreg:s7], $0x2FFFF;
	_ =	strace $0x9FFFFFFF  }
0xc4: {  	(tm) =	ssettm $0x7FFFFFFF  }
0xc5: {  	_ =	shalt  }
tec
execute0_lowered:
.L_overlay_start_1:
0x0: {  	(tag) =	ssettag $0x1  }
0x1: {  	s7 =	rddreg [dreg:$0x0]  }
0x2: {  	s5 =	rddreg [dreg:$0x1]  }
0x3: {  	s0 =	srdreg.scid;
	s1 =	rddreg [dreg:$0x2]  }
0x4: {  	s11 =	stileid.u32;
	s2 =	rddreg [dreg:$0x3];
	s3 =	simm.s32 $0x0  }
0x5: {  	s22 =	simm.s32 $0x1;
	s4 =	sand.u32 $0x1, s0;
	s10 =	smul.u32 $0xA000, s11  }
0x6: {  	s23 =	sshll.u32 s11, $0x1;
	s0 =	rddreg [dreg:$0x4];
	s12 =	smul.u32 $0x28000, s11  }
0x7: {  	[smem:$0x7FF] =	sst s3;
	s28 =	sshll.u32 s11, $0x6;
	s30 =	smul.u32 $0x9C00, s11  }
0x8: {  	s21 =	sadd.s32 $0x9C000, s2;
	p0 =	sne.s32 s11, $0x0;
	s6 =	sor.u32 s4, s23  }
0x9: {  	s8 =	smul.u32 $0x14000, s4;
	_ =	strace $0x8000004D;
	s24 =	ssub.s32 $0x2, s4  }
0xa: {  	s4 =	sadd.s32 $0xC200, s5;
	s6 =	smul.u32 $0x500, s6;
	s25 =	sshrl.u32 s24, $0x1  }
0xb: {  	s15 =	sadd.s32 s10, s1;
	s26 =	sshrl.u32 s12, $0x2;
	s31 =	sshrl.u32 s30, $0x3  }
0xc: {  	s20 =	sadd.s32 s30, s2;
	s12 =	simm.s32 $0x2;
	s13 =	sadd.s32 s8, s5  }
0xd: {  	s14 =	ssub.s32 s24, s25;
	s29 =	sadd.s32 s26, s1;
	s24 =	sshrl.u32 s10, $0x3  }
0xe: {  	s11 =	sshrl.u32 s15, $0x3;
	s9 =	sadd.s32 s6, s5;
	s5 =	sor.u32 $0x1C02, s28  }
0xf: {  	s16 =	sadd.s32 $0x2000, s29;
	s17 =	sadd.s32 $0x4000, s29;
	s18 =	sadd.s32 $0x6000, s29  }
0x10: {  	s19 =	sadd.s32 $0x8000, s29;
	s6 =	sadd.s32 s7, s31;
	s7 =	sadd.s32 $0x13800, s7  }
0x11: {  	s23 =	sadd.s32 $0x66800, s13;
	s10 =	smax.u32 s14, $0x1;
	s8 =	sadd.s32 $0xC800, s9  }
0x12: {  	s9 =	sadd.s32 $0x2200, s9;
	s13 =	sshrl.u32 s16, $0x3;
	s14 =	sshrl.u32 s17, $0x3  }
0x13: {  	s15 =	sshrl.u32 s18, $0x3;
	s16 =	sshrl.u32 s19, $0x3;
	s17 =	sshrl.u32 s20, $0x3  }
0x14: {  	s18 =	sshrl.u32 @!p0 s21, $0x3;
	s19 =	simm.s32 $0x2800;
	s20 =	simm.s32 $0x100  }
0x15: {  	s21 =	simm.s32 $0x5000;
	s23 =	sadd.s32 s24, s23;
	s24 =	simm.s32 $0x0  }
.LBB2_1:
0x16: {  	[spmem:s11], [sflag:s5] =	dma.local [hbm:s4], $0x400  }
0x17: {  	_ =	swait.ge [sflag:s12], $0x400  }
0x18: {  	[sflag:s12] =	ssyncset.done $0x0  }
0x19: {  	[sflag:s12] =	ssyncadd.s32 $0xFFFFFC00  }
0x1a: {  	[spmem:s13], [sflag:s5] =	dma.local [hbm:s4], $0x400  }
0x1b: {  	_ =	swait.ge [sflag:s12], $0x400  }
0x1c: {  	[sflag:s12] =	ssyncset.done $0x0  }
0x1d: {  	[sflag:s12] =	ssyncadd.s32 $0xFFFFFC00  }
0x1e: {  	[spmem:s14], [sflag:s5] =	dma.local [hbm:s4], $0x400  }
0x1f: {  	_ =	swait.ge [sflag:s12], $0x400  }
0x20: {  	[sflag:s12] =	ssyncset.done $0x0  }
0x21: {  	[sflag:s12] =	ssyncadd.s32 $0xFFFFFC00  }
0x22: {  	[spmem:s15], [sflag:s5] =	dma.local [hbm:s4], $0x400  }
0x23: {  	_ =	swait.ge [sflag:s12], $0x400  }
0x24: {  	[sflag:s12] =	ssyncset.done $0x0  }
0x25: {  	[sflag:s12] =	ssyncadd.s32 $0xFFFFFC00  }
0x26: {  	[spmem:s16], [sflag:s5] =	dma.local [hbm:s4], $0x400  }
0x27: {  	_ =	swait.ge [sflag:s12], $0x400  }
0x28: {  	[sflag:s12] =	ssyncset.done $0x0  }
0x29: {  	[sflag:s12] =	ssyncadd.s32 $0xFFFFFC00  }
0x2a: {  	[spmem:s17], [sflag:s5] =	dma.local [hbm:s6], $0x1380  }
0x2b: {  	_ =	swait.ge [sflag:s12], $0x1380  }
0x2c: {  	[sflag:s12] =	ssyncset.done $0x0  }
0x2d: {  	s25 =	simm.s32 @!p0 $0x2;
	[sflag:s12] =	ssyncadd.s32 $0xFFFFEC80  }
0x2e: {  	[spmem:s18], [sflag:s5] =	dma.local @!p0 [hbm:s7], $0x80  }
0x2f: {  	_ =	swait.ge @!p0 [sflag:s25], $0x80  }
0x30: {  	[sflag:s25] =	ssyncset.done @!p0 $0x0  }
0x31: {  	[sflag:s25] =	ssyncadd.s32 @!p0 $0xFFFFFF80  }
0x32: {  	[tilespmem:s3], [sflag:$0x2] =	stream.linear.gather [hbm4b:s8+s3], $0x2800, $0x38;
	[tilespmem:$0x1CC80] =	vst v63  }
0x33: {  	_ =	swait.ge [sflag:s12], $0x2800  }
0x34: {  	[sflag:s12] =	ssyncset.done $0x0  }
0x35: {  	[sflag:s12] =	ssyncadd.s32 $0xFFFFD800  }
0x36: {  	[tilespmem:s19], [sflag:$0x2] =	stream.linear.gather [hbm4b:s9+s3], $0x2800, $0x38;
	[tilespmem:$0x1CC80] =	vst v63  }
0x37: {  	_ =	swait.ge [sflag:s12], $0x2800  }
0x38: {  	[sflag:s12] =	ssyncset.done $0x0  }
0x39: {  	[sflag:s12] =	ssyncadd.s32 $0xFFFFD800  }
0x3a: {  	s30 =	simm.s32 $0x0;
	[bflag:$0x0] =	sbarrier.arrive $0xFFFF  }
0x3b: {  	[tilespmem:s21], [sflag:$0x1] =	stream.indirect.gather [spmem:s2], $0x40, s30, s20, $0xb8;
	[tilespmem:$0x1CC80] =	vst v63  }
0x3c: {  	_ =	swait.ge [sflag:s22], $0x4000  }
0x3d: {  	[sflag:s22] =	ssyncset.done $0x0  }
0x3e: {  	s31 =	simm.s32 $0x2800;
	[sflag:s22] =	ssyncadd.s32 $0xFFFFC000  }
0x3f: {  	[spmem:s1] =	stream.indirect.scatter.add.f32 [tilespmem:s21], [sflag:$0x2], $0x40, s31, s20, $0xb8;
	[tilespmem:$0x1CC80] =	vst v63  }
0x40: {  	_ =	swait.ge [sflag:s12], $0x4000  }
0x41: {  	s26 =	simm.s32 $0x800;
	s25 =	simm.s32 $0x400;
	[sflag:s12] =	ssyncset.done $0x0  }
.LBB2_2:
0x42: {  	s28 =	sshra.s32 s25, $0x2  }
0x43: {  	[sflag:s12] =	ssyncadd.s32 $0xFFFFC000;
	s25 =	smov.u32 s26;
	s29 =	sadd.s32 $0x400, s26  }
0x44: {  	[tilespmem:s21], [sflag:$0x1] =	stream.indirect.gather [spmem:s2], $0x40, s28, s20, $0xb8;
	[tilespmem:$0x1CC80] =	vst v63  }
0x45: {  	p1 =	sne.s32 s26, $0x9C00;
	_ =	swait.ge [sflag:s22], $0x4000  }
.Ltmp0:
0x46: {  	[sflag:s22] =	ssyncset.done $0x0;
	(pc) =	sbr.rel @p1 .LBB2_2-.Ltmp0, $4  }
0x47: {  	s26 =	sadd.s32 $0x2800, s28;
	[sflag:s22] =	ssyncadd.s32 $0xFFFFC000  }
0x48: {  	[spmem:s1] =	stream.indirect.scatter.add.f32 [tilespmem:s21], [sflag:$0x2], $0x40, s26, s20, $0xb8;
	[tilespmem:$0x1CC80] =	vst v63  }
0x49: {  	_ =	swait.ge [sflag:s12], $0x4000  }
0x4a: {  	s26 =	smov.u32 s29;
	[sflag:s12] =	ssyncset.done $0x0  }
0x4b: {  	s25 =	sshra.s32 s25, $0x2;
	[sflag:s12] =	ssyncadd.s32 $0xFFFFC000  }
0x4c: {  	[tilespmem:s21], [sflag:$0x1] =	stream.indirect.gather [spmem:s2], $0x40, s25, s20, $0xb8;
	[tilespmem:$0x1CC80] =	vst v63  }
0x4d: {  	_ =	swait.ge [sflag:s22], $0x4000  }
0x4e: {  	[sflag:s22] =	ssyncset.done $0x0  }
0x4f: {  	s25 =	sadd.s32 $0x2800, s25;
	[sflag:s22] =	ssyncadd.s32 $0xFFFFC000  }
0x50: {  	[spmem:s1] =	stream.indirect.scatter.add.f32 [tilespmem:s21], [sflag:$0x2], $0x40, s25, s20, $0xb8;
	[tilespmem:$0x1CC80] =	vst v63  }
0x51: {  	_ =	swait.ge [sflag:s12], $0x4000  }
0x52: {  	s24 =	sadd.s32 $0x1, s24;
	[sflag:s12] =	ssyncset.done $0x0  }
0x53: {  	p1 =	sne.s32 s24, s10;
	[sflag:s12] =	ssyncadd.s32 $0xFFFFC000  }
.Ltmp1:
0x54: {  	[bflag:$0x0] =	sbarrier.arrive $0xFFFF;
	(pc) =	sbr.rel @p1 .LBB2_1-.Ltmp1, $4  }
0x55: {  	[hbm:s23], [sflag:s5] =	dma.local [spmem:s11], $0x1400  }
0x56: {  	_ =	swait.ge [sflag:s12], $0x1400  }
0x57: {  	[sflag:s12] =	ssyncset.done $0x0  }
0x58: {  	[sflag:s12] =	ssyncadd.s32 $0xFFFFEC00  }
0x59: {  	_ =	sfence.sel $0x180000  }
0x5a: {  	[bflag:$0x0] =	sbarrier.arrive $0xFFFF  }
0x5b: {  	_ =	strace $0x9000004D  }
0x5c: {  	s0 =	sadd.s32 @!p0 $0x100000, s0;
	[bflag:$0x2] =	sbarrier.arrive $0xFFFF  }
0x5d: {  	[sflag:s0] =	ssyncadd.tile.s32 @!p0 $0x1;
	_ =	shalt  }
.Lfunc_end2:
_tile_overlayer_lowered:
.L_overlay_start_2:
0x5e: {  	(tag) =	ssettag $0x2  }
0x5f: {  	s0 =	rddreg [dreg:$0x0];
	s2 =	stileid.u32  }
0x60: {  	s1 =	rddreg [dreg:$0x1];
	p0 =	sne.s32 s2, $0x0  }
0x61: {  	s3 =	rddreg [dreg:$0x2];
	[bflag:$0x3] =	sbarrier.arrive $0xFFFF;
	s2 =	simm.s32 @!p0 $0x1C02  }
0x62: {  	[timem:s3], [sflag:s2] =	dma.local @!p0 [hbm:s0], s1  }
0x63: {  	s0 =	simm.s32 @!p0 $0x2  }
0x64: {  	_ =	swait.ge @!p0 [sflag:s0], s1  }
0x65: {  	s1 =	ssub.s32 @!p0 $0x0, s1;
	[sflag:s0] =	ssyncset.done @!p0 $0x0  }
0x66: {  	[sflag:s0] =	ssyncadd.s32 @!p0 s1  }
0x67: {  	[bflag:$0x3] =	sbarrier.arrive $0xFFFF  }
0x68: {  	_ =	shalt  }

// kernel: _run.8.cloned.1.call-start
scs
__scs_entry_jumppad:
0x0: {  	(pc) =	sbr.rel $0x88, $3  }
0x1: {  	(tag) =	ssettag $0x0;
	lr =	simm.s32 $0x1  }
0x2: {  	[smem:$0x3F9B] =	sst lr;
	_ =	strace $0xD0000000  }
0x3: {  	_ = 	snop  }
0x4: {  	_ = 	snop  }
0x5: {  	_ = 	snop  }
0x6: {  	_ = 	snop  }
0x7: {  	_ = 	snop  }
__scs_overlays_trampoline_lowered:
0x8: {  	[smem:$0x3FAA] =	sst s0  }
0x9: {  	[smem:$0x3FAB] =	sst s1  }
0xa: {  	[smem:$0x3FAC] =	sst s2  }
0xb: {  	[smem:$0x3FAD] =	sst s3  }
0xc: {  	[smem:$0x3FAE] =	sst s4  }
0xd: {  	[smem:$0x3FAF] =	sst s5  }
0xe: {  	[smem:$0x3FB0] =	sst s6  }
0xf: {  	[smem:$0x3FB1] =	sst s7  }
0x10: {  	[smem:$0x3FB2] =	sst s8  }
0x11: {  	[smem:$0x3FB3] =	sst s9;
	s0 =	simm.s32 @!p0 $0x0  }
0x12: {  	s1 =	sld [smem:$0x3F99];
	s0 =	simm.s32 @p0 $0x1  }
0x13: {  	[smem:$0x3FB4] =	sst s0;
	s0 =	simm.s32 @!p1 $0x0  }
0x14: {  	s2 =	sld [smem:$0x3F98];
	s0 =	simm.s32 @p1 $0x1  }
0x15: {  	[smem:$0x3FB5] =	sst s0;
	s0 =	simm.s32 @!p2 $0x0  }
0x16: {  	s3 =	sld [smem:$0x3FDB];
	s0 =	simm.s32 @p2 $0x1  }
0x17: {  	s4 =	simm.s32 $0x1BF5;
	[smem:$0x3FB7] =	sst s0  }
0x18: {  	s0 =	sld [smem:$0x3F9A];
	_ =	swait.ge [sflag:s4], $0x0  }
0x19: {  	s7 =	sld [smem:$0x3F9B]  }
0x1a: {  	s8 =	sadd.s32 $0xFFFFE003, lr  }
0x1b: {  	s9 =	sadd.s32 $0xFFFFFEF7, lr;
	s5 =	simm.s32 $0xFFFFFFFF;
	p2 =	slt.u32 s8, $0xFFFFF086  }
0x1c: {  	p1 =	slt.u32 s9, $0xF7A;
	s5 =	simm.s32 @!p2 $0x0  }
0x1d: {  	s5 =	simm.s32 @p1 $0x1;
	p0 =	seq.s32 s7, s2  }
0x1e: {  	s7 =	smul.u32 @!p0 $0xF7A, s2;
	p2 =	seq.s32 @!p0 s5, $0x0  }
0x1f: {  	s9 =	smul.u32 $0xF7A, s1;
	s8 =	simm.s32 @!p0 $0x1BF5;
	p2 =	por !p2, p0  }
0x20: {  	[sflag:s8] =	ssyncset.s32 @!p0 $0xFFFFF086;
	s6 =	sadd.s32 @!p0 s3, s7;
	s7 =	simm.s32 @!p0 $0x108  }
0x21: {  	s3 =	sadd.s32 s3, s9;
	s6 =	sadd.s32 @!p0 $0x88, s6;
	s7 =	simm.s32 @p2 $0x1082  }
0x22: {  	[simem:s7], [sflag:s8] =	dma.local @!p0 [hbm:s6], $0xF7A  }
0x23: {  	s9 =	sor.u32 $0xD0000000, s2;
	s6 =	simm.s32 $0x108;
	_ =	swait.ge @!p0 [sflag:s8], $0x0  }
0x24: {  	s3 =	sadd.s32 $0x88, s3;
	s6 =	simm.s32 @!p1 $0x1082;
	[sflag:s4] =	ssyncset.s32 $0xFFFFF086  }
0x25: {  	[simem:s6], [sflag:s4] =	dma.local [hbm:s3], $0xF7A  }
0x26: {  	[smem:$0x3F9B] =	sst s1;
	(tag) =	ssettag s2;
	_ =	strace s9  }
0x27: {  	s1 =	sld [smem:$0x3FAB]  }
0x28: {  	s2 =	sld [smem:$0x3FAC]  }
0x29: {  	s4 =	sld [smem:$0x3FAE]  }
0x2a: {  	p0 =	seq.s32 s5, $0x0;
	s5 =	sld [smem:$0x3FAF]  }
0x2b: {  	s6 =	sld [smem:$0x3FB0]  }
0x2c: {  	s7 =	sld [smem:$0x3FB1]  }
0x2d: {  	s3 =	simm.s32 $0x108;
	s8 =	sld [smem:$0x3FB2]  }
0x2e: {  	s3 =	simm.s32 @!p0 $0x1082;
	s9 =	sld [smem:$0x3FB3]  }
0x2f: {  	lr =	sadd.s32 s0, s3;
	s0 =	sld [smem:$0x3FAA]  }
0x30: {  	s3 =	sld [smem:$0x3FAD]  }
0x31: {  	[smem:$0x3FB6] =	sst s10  }
0x32: {  	s10 =	sld [smem:$0x3FB4];
	_ =	sdelay $0x3  }
0x33: {  	p0 =	seq.s32 s10, $0x1;
	s10 =	sld [smem:$0x3FB6];
	_ =	sdelay $0x3  }
0x34: {  	[smem:$0x3FB6] =	sst s10  }
0x35: {  	s10 =	sld [smem:$0x3FB5];
	_ =	sdelay $0x3  }
0x36: {  	p1 =	seq.s32 s10, $0x1;
	s10 =	sld [smem:$0x3FB6];
	_ =	sdelay $0x3  }
0x37: {  	[smem:$0x3FB6] =	sst s10  }
0x38: {  	s10 =	sld [smem:$0x3FB7]  }
0x39: {  	_ = 	snop;
	(pc) =	sbr.ind lr, $3  }
0x3a: {  	_ = 	snop  }
0x3b: {  	_ = 	snop  }
0x3c: {  	p2 =	seq.s32 s10, $0x1;
	s10 =	sld [smem:$0x3FB6]  }
0x3d: {  	_ =	shalt  }
0x3e: {  	_ =	shalt  }
0x3f: {  	_ =	shalt  }
0x40: {  	_ =	shalt  }
0x41: {  	_ =	shalt  }
0x42: {  	_ =	shalt  }
0x43: {  	_ =	shalt  }
0x44: {  	_ =	shalt  }
0x45: {  	_ =	shalt  }
0x46: {  	_ =	shalt  }
0x47: {  	_ =	shalt  }
0x48: {  	_ =	shalt  }
0x49: {  	_ =	shalt  }
0x4a: {  	_ =	shalt  }
0x4b: {  	_ =	shalt  }
0x4c: {  	_ =	shalt  }
0x4d: {  	_ =	shalt  }
0x4e: {  	_ =	shalt  }
0x4f: {  	_ =	shalt  }
0x50: {  	_ =	shalt  }
0x51: {  	_ =	shalt  }
0x52: {  	_ =	shalt  }
0x53: {  	_ =	shalt  }
0x54: {  	_ =	shalt  }
0x55: {  	_ =	shalt  }
0x56: {  	_ =	shalt  }
0x57: {  	_ =	shalt  }
0x58: {  	_ =	shalt  }
0x59: {  	_ =	shalt  }
0x5a: {  	_ =	shalt  }
0x5b: {  	_ =	shalt  }
0x5c: {  	_ =	shalt  }
0x5d: {  	_ =	shalt  }
0x5e: {  	_ =	shalt  }
0x5f: {  	_ =	shalt  }
0x60: {  	_ =	shalt  }
0x61: {  	_ =	shalt  }
0x62: {  	_ =	shalt  }
0x63: {  	_ =	shalt  }
0x64: {  	_ =	shalt  }
0x65: {  	_ =	shalt  }
0x66: {  	_ =	shalt  }
0x67: {  	_ =	shalt  }
0x68: {  	_ =	shalt  }
0x69: {  	_ =	shalt  }
0x6a: {  	_ =	shalt  }
0x6b: {  	_ =	shalt  }
0x6c: {  	_ =	shalt  }
0x6d: {  	_ =	shalt  }
0x6e: {  	_ =	shalt  }
0x6f: {  	_ =	shalt  }
0x70: {  	_ =	shalt  }
0x71: {  	_ =	shalt  }
0x72: {  	_ =	shalt  }
0x73: {  	_ =	shalt  }
0x74: {  	_ =	shalt  }
0x75: {  	_ =	shalt  }
0x76: {  	_ =	shalt  }
0x77: {  	_ =	shalt  }
0x78: {  	_ =	shalt  }
0x79: {  	_ =	shalt  }
0x7a: {  	_ =	shalt  }
0x7b: {  	_ =	shalt  }
0x7c: {  	_ =	shalt  }
0x7d: {  	_ =	shalt  }
0x7e: {  	_ =	shalt  }
0x7f: {  	_ =	shalt  }
0x80: {  	_ =	shalt  }
0x81: {  	_ =	shalt  }
0x82: {  	_ =	shalt  }
0x83: {  	_ =	shalt  }
0x84: {  	_ =	shalt  }
0x85: {  	_ =	shalt  }
0x86: {  	_ =	shalt  }
0x87: {  	_ =	shalt  }
.Lfunc_end0:
.L_simem_size_0:
called_computation_lowered:
.L_overlay_start_0:
0x88: {  	s2 =	sld [smem:$0x3FD9]  }
0x89: {  	s3 =	sld [smem:$0x3FFE];
	_ =	sdelay $0x1  }
0x8a: {  	s1 =	srdreg.scid  }
0x8b: {  	s0 =	sand.u32 $0x1, s1  }
0x8c: {  	s17 =	sshll.u32 s0, $0xA;
	s2 =	sadd.s32 s3, s2  }
0x8d: {  	s2 =	sadd.s32 s2, s17  }
0x8e: {  	[smem:$0x3FC2] =	sst s2  }
0x8f: {  	_ = 	snop  }
0x90: {  	s2 =	sld [smem:$0x3FD0];
	(tm) =	ssettm $0x1  }
0x91: {  	s18 =	sld [smem:$0x3FFB];
	_ =	sdelay $0x3  }
0x92: {  	_ =	strace s18  }
0x93: {  	s3 =	sld [smem:$0x3FFC];
	_ =	sdelay $0x3  }
0x94: {  	_ =	strace s3  }
0x95: {  	s3 =	sld [smem:$0x3FFD];
	_ =	sdelay $0x3  }
0x96: {  	_ =	strace s3  }
0x97: {  	_ =	strace $0x8FFFFFFF  }
0x98: {  	s19 =	sld [smem:$0x3FDB];
	_ =	sdelay $0x1  }
0x99: {  	s4 =	simm.s32 $_scs_section_size  }
0x9a: {  	s5 =	simm.s32 $_size__tile_overlayer_lowered;
	s6 =	simm.s32 $_tile_overlayer_lowered  }
0x9b: {  	s22 =	simm.s32 $0x1BFF;
	s21 =	sshll.u32 s6, $0x1;
	s3 =	sadd.s32 s4, s19  }
0x9c: {  	s7 =	simm.s32 $0x0;
	s20 =	sshll.u32 s5, $0x1;
	s5 =	sadd.s32 s21, s3  }
0x9d: {  	[timem:s7], [sflag:s22] =	dma.local [hbm:s5], s20  }
0x9e: {  	_ =	swait.ge [sflag:s22], s20  }
0x9f: {  	s4 =	ssub.s32 $0x0, s20;
	[sflag:s22] =	ssyncset.done $0x0  }
0xa0: {  	[sflag:s22] =	ssyncadd.s32 s4;
	_ =	sdelay $0x1  }
0xa1: {  	s23 =	simm.s32 $0x1B8B  }
0xa2: {  	_ =	swait.ge [sflag:s23], $0x1  }
0xa3: {  	[sflag:s23] =	ssyncset.done $0x0  }
0xa4: {  	s25 =	simm.s32 $0x1B8E;
	s24 =	sld [smem:$0x3FFE];
	[sflag:s23] =	ssyncadd.s32 $0xFFFFFFFF  }
0xa5: {  	s26 =	simm.s32 $execute0_lowered;
	[smem:$0x3FD2] =	sst s25  }
0xa6: {  	s5 =	sshll.u32 s26, $0x1;
	_ =	strace $0x80000046;
	[dreg:$0x1] =	wrdreg $0xFFFFFFFF  }
0xa7: {  	s28 =	simm.s32 $_size_execute0_lowered;
	s3 =	sadd.s32 s3, s5;
	[dreg:$0x0] =	wrdreg $0x0  }
0xa8: {  	s5 =	sshll.u32 s28, $0x1;
	[dreg:$0x2] =	wrdreg s3  }
0xa9: {  	[dreg:$0x3] =	wrdreg s5  }
0xaa: {  	[dreg:$0x4] =	wrdreg $0xC0  }
0xab: {  	_ =	task [dreg:s7], $0x5FFFF  }
0xac: {  	[dreg:$0x1] =	wrdreg $0xFFFFFFFF  }
0xad: {  	[dreg:$0x0] =	wrdreg $0x60  }
0xae: {  	[dreg:$0x2] =	wrdreg s24  }
0xaf: {  	[dreg:$0x3] =	wrdreg s2  }
0xb0: {  	[dreg:$0x4] =	wrdreg $0x48000  }
0xb1: {  	[dreg:$0x5] =	wrdreg $0x9  }
0xb2: {  	_ =	task.clear_ibuf [dreg:s7], $0x6FFFF;
	_ =	strace $0x90000046  }
0xb3: {  	s29 =	simm.s32 $0x9;
	_ =	strace $0x80000048  }
0xb4: {  	_ =	swait.ge [sflag:s29], $0x1  }
0xb5: {  	[sflag:s29] =	ssyncadd.s32 $0xFFFFFFFF  }
0xb6: {  	_ =	strace $0x90000048  }
0xb7: {  	_ =	sfence  }
0xb8: {  	s30 =	sld [smem:$0x0];
	_ =	sdelay $0x2  }
0xb9: {  	s31 =	sshll.u32 s1, $0xD;
	s1 =	sshrl.u32 s1, $0x2  }
0xba: {  	s3 =	sand.u32 $0x4000, s31;
	s1 =	sadd.s32 s1, s30  }
0xbb: {  	s0 =	sor.u32 s3, s0;
	s1 =	sshll.u32 s1, $0x11  }
0xbc: {  	s0 =	sor.u32 s1, s0  }
0xbd: {  	s0 =	sadd.s32 $0x8F2B, s0  }
0xbe: {  	[sflag:s0] =	ssyncadd.remote.s32 $0x1  }
0xbf: {  	_ =	sfence.sel $0xFFFF  }
0xc0: {  	[dreg:$0x0] =	wrdreg $0xFFFFFFFF;
	(pc) =	sbr.abs _section_cstart, $3  }
0xc1: {  	[dreg:$0x1] =	wrdreg $0xFFFFFFFF  }
0xc2: {  	_ =	task.clear_ibuf [dreg:s7], $0x2FFFF;
	_ =	strace $0x9FFFFFFF  }
0xc3: {  	(tm) =	ssettm $0x7FFFFFFF  }
tec
execute0_lowered:
.L_overlay_start_1:
0x0: {  	(tag) =	ssettag $0x1  }
0x1: {  	s4 =	rddreg [dreg:$0x0]  }
0x2: {  	s0 =	srdreg.scid;
	s1 =	stileid.u32  }
0x3: {  	s2 =	rddreg [dreg:$0x2];
	s3 =	simm.s32 $0x0;
	s31 =	sand.u32 $0x1, s0  }
0x4: {  	s18 =	sshll.u32 s1, $0x1;
	[smem:$0x7FF] =	sst s3;
	s6 =	smul.u32 $0xA000, s1  }
0x5: {  	s7 =	sadd.s32 $0xC200, s4;
	s19 =	smul.u32 $0x2800, s1;
	s0 =	sor.u32 s31, s18  }
0x6: {  	_ =	strace $0x80000047;
	[dreg:$0x4] =	wrdreg s7;
	s5 =	smul.u32 $0x500, s0  }
0x7: {  	s21 =	sshll.u32 s1, $0x6;
	[dreg:$0x8] =	wrdreg s19;
	s6 =	sshrl.u32 s6, $0x2  }
0x8: {  	s20 =	sadd.s32 s19, s2;
	s9 =	sadd.s32 s6, s2;
	s5 =	sadd.s32 s5, s4  }
0x9: {  	s7 =	sshrl.u32 s20, $0x3;
	s8 =	sadd.s32 $0x800, s9;
	s5 =	sadd.s32 $0x2200, s5  }
0xa: {  	s10 =	sadd.s32 $0x1000, s9;
	s8 =	sshrl.u32 s8, $0x3;
	[dreg:$0x5] =	wrdreg s5  }
0xb: {  	s6 =	simm.s32 $0x1;
	s22 =	sshrl.u32 s10, $0x3;
	[dreg:$0x6] =	wrdreg s8  }
0xc: {  	s4 =	sadd.s32 $0xC600, s4;
	s5 =	sor.u32 $0x1C01, s21;
	[dreg:$0x7] =	wrdreg s22  }
0xd: {  	[spmem:s7], [sflag:s5] =	dma.local [hbm:s4], $0x100  }
0xe: {  	_ =	swait.ge [sflag:s6], $0x100  }
0xf: {  	[sflag:s6] =	ssyncset.done $0x0  }
0x10: {  	s23 =	rddreg [dreg:$0x6];
	[sflag:s6] =	ssyncadd.s32 $0xFFFFFF00  }
0x11: {  	[spmem:s23], [sflag:s5] =	dma.local [hbm:s4], $0x100  }
0x12: {  	_ =	swait.ge [sflag:s6], $0x100  }
0x13: {  	[sflag:s6] =	ssyncset.done $0x0  }
0x14: {  	s24 =	rddreg [dreg:$0x7];
	[sflag:s6] =	ssyncadd.s32 $0xFFFFFF00  }
0x15: {  	[spmem:s24], [sflag:s5] =	dma.local [hbm:s4], $0x100  }
0x16: {  	_ =	swait.ge [sflag:s6], $0x100  }
0x17: {  	s25 =	sadd.s32 $0x1800, s9;
	[sflag:s6] =	ssyncset.done $0x0  }
0x18: {  	s8 =	sshrl.u32 s25, $0x3;
	[sflag:s6] =	ssyncadd.s32 $0xFFFFFF00  }
0x19: {  	[spmem:s8], [sflag:s5] =	dma.local [hbm:s4], $0x100  }
0x1a: {  	_ =	swait.ge [sflag:s6], $0x100  }
0x1b: {  	s9 =	sadd.s32 $0x2000, s9;
	[sflag:s6] =	ssyncset.done $0x0  }
0x1c: {  	s9 =	sshrl.u32 s9, $0x3;
	[sflag:s6] =	ssyncadd.s32 $0xFFFFFF00  }
0x1d: {  	[spmem:s9], [sflag:s5] =	dma.local [hbm:s4], $0x100  }
0x1e: {  	_ =	swait.ge [sflag:s6], $0x100  }
0x1f: {  	[sflag:s6] =	ssyncset.done $0x0  }
0x20: {  	s26 =	rddreg [dreg:$0x5];
	[sflag:s6] =	ssyncadd.s32 $0xFFFFFF00  }
0x21: {  	[tilespmem:s3], [sflag:$0x1] =	stream.linear.gather [hbm4b:s26+s3], $0x2800, $0x38;
	[tilespmem:$0x7000] =	vst v63  }
0x22: {  	_ =	swait.ge [sflag:s6], $0x2800  }
0x23: {  	[sflag:s6] =	ssyncset.done $0x0  }
0x24: {  	s10 =	simm.s32 $0x2800;
	s11 =	rddreg [dreg:$0x4];
	[sflag:s6] =	ssyncadd.s32 $0xFFFFD800  }
0x25: {  	[tilespmem:s10], [sflag:$0x1] =	stream.linear.gather [hbm4b:s11+s3], $0x2000, $0x38;
	[tilespmem:$0x7000] =	vst v63  }
0x26: {  	_ =	swait.ge [sflag:s6], $0x2000  }
0x27: {  	[sflag:s6] =	ssyncset.done $0x0  }
0x28: {  	[sflag:s6] =	ssyncadd.s32 $0xFFFFE000  }
0x29: {  	s11 =	simm.s32 $0x200;
	[bflag:$0x0] =	sbarrier.arrive $0xFFFF  }
0x2a: {  	[spmem:s2] =	stream.indirect.scatter.add.f32 [tilespmem:s10], [sflag:$0x1], $0x10, s3, s11, $0xb8;
	[tilespmem:$0x7000] =	vst v63  }
0x2b: {  	_ =	swait.ge [sflag:s6], $0x2000  }
0x2c: {  	[sflag:s6] =	ssyncset.done $0x0  }
0x2d: {  	[sflag:s6] =	ssyncadd.s32 $0xFFFFE000  }
0x2e: {  	[spmem:s2] =	stream.indirect.scatter.add.f32 [tilespmem:s10], [sflag:$0x1], $0x10, s11, s11, $0xb8;
	[tilespmem:$0x7000] =	vst v63  }
0x2f: {  	_ =	swait.ge [sflag:s6], $0x2000  }
0x30: {  	[sflag:s6] =	ssyncset.done $0x0  }
0x31: {  	s12 =	simm.s32 $0x400;
	[sflag:s6] =	ssyncadd.s32 $0xFFFFE000  }
0x32: {  	[spmem:s2] =	stream.indirect.scatter.add.f32 [tilespmem:s10], [sflag:$0x1], $0x10, s12, s11, $0xb8;
	[tilespmem:$0x7000] =	vst v63  }
0x33: {  	_ =	swait.ge [sflag:s6], $0x2000  }
0x34: {  	[sflag:s6] =	ssyncset.done $0x0  }
0x35: {  	s13 =	simm.s32 $0x600;
	[sflag:s6] =	ssyncadd.s32 $0xFFFFE000  }
0x36: {  	[spmem:s2] =	stream.indirect.scatter.add.f32 [tilespmem:s10], [sflag:$0x1], $0x10, s13, s11, $0xb8;
	[tilespmem:$0x7000] =	vst v63  }
0x37: {  	_ =	swait.ge [sflag:s6], $0x2000  }
0x38: {  	[sflag:s6] =	ssyncset.done $0x0  }
0x39: {  	s14 =	simm.s32 $0x800;
	[sflag:s6] =	ssyncadd.s32 $0xFFFFE000  }
0x3a: {  	[spmem:s2] =	stream.indirect.scatter.add.f32 [tilespmem:s10], [sflag:$0x1], $0x10, s14, s11, $0xb8;
	[tilespmem:$0x7000] =	vst v63  }
0x3b: {  	_ =	swait.ge [sflag:s6], $0x2000  }
0x3c: {  	[sflag:s6] =	ssyncset.done $0x0  }
0x3d: {  	s15 =	simm.s32 $0xA00;
	[sflag:s6] =	ssyncadd.s32 $0xFFFFE000  }
0x3e: {  	[spmem:s2] =	stream.indirect.scatter.add.f32 [tilespmem:s10], [sflag:$0x1], $0x10, s15, s11, $0xb8;
	[tilespmem:$0x7000] =	vst v63  }
0x3f: {  	_ =	swait.ge [sflag:s6], $0x2000  }
0x40: {  	[sflag:s6] =	ssyncset.done $0x0  }
0x41: {  	s16 =	simm.s32 $0xC00;
	[sflag:s6] =	ssyncadd.s32 $0xFFFFE000  }
0x42: {  	[spmem:s2] =	stream.indirect.scatter.add.f32 [tilespmem:s10], [sflag:$0x1], $0x10, s16, s11, $0xb8;
	[tilespmem:$0x7000] =	vst v63  }
0x43: {  	_ =	swait.ge [sflag:s6], $0x2000  }
0x44: {  	[sflag:s6] =	ssyncset.done $0x0  }
0x45: {  	s17 =	simm.s32 $0xE00;
	[sflag:s6] =	ssyncadd.s32 $0xFFFFE000  }
0x46: {  	[spmem:s2] =	stream.indirect.scatter.add.f32 [tilespmem:s10], [sflag:$0x1], $0x10, s17, s11, $0xb8;
	[tilespmem:$0x7000] =	vst v63  }
0x47: {  	_ =	swait.ge [sflag:s6], $0x2000  }
0x48: {  	[sflag:s6] =	ssyncset.done $0x0  }
0x49: {  	s18 =	simm.s32 $0x1000;
	[sflag:s6] =	ssyncadd.s32 $0xFFFFE000  }
0x4a: {  	[spmem:s2] =	stream.indirect.scatter.add.f32 [tilespmem:s10], [sflag:$0x1], $0x10, s18, s11, $0xb8;
	[tilespmem:$0x7000] =	vst v63  }
0x4b: {  	_ =	swait.ge [sflag:s6], $0x2000  }
0x4c: {  	[sflag:s6] =	ssyncset.done $0x0  }
0x4d: {  	s19 =	simm.s32 $0x1200;
	[sflag:s6] =	ssyncadd.s32 $0xFFFFE000  }
0x4e: {  	[spmem:s2] =	stream.indirect.scatter.add.f32 [tilespmem:s10], [sflag:$0x1], $0x10, s19, s11, $0xb8;
	[tilespmem:$0x7000] =	vst v63  }
0x4f: {  	_ =	swait.ge [sflag:s6], $0x2000  }
0x50: {  	[sflag:s6] =	ssyncset.done $0x0  }
0x51: {  	s20 =	simm.s32 $0x1400;
	[sflag:s6] =	ssyncadd.s32 $0xFFFFE000  }
0x52: {  	[spmem:s2] =	stream.indirect.scatter.add.f32 [tilespmem:s10], [sflag:$0x1], $0x10, s20, s11, $0xb8;
	[tilespmem:$0x7000] =	vst v63  }
0x53: {  	_ =	swait.ge [sflag:s6], $0x2000  }
0x54: {  	[sflag:s6] =	ssyncset.done $0x0  }
0x55: {  	s21 =	simm.s32 $0x1600;
	[sflag:s6] =	ssyncadd.s32 $0xFFFFE000  }
0x56: {  	[spmem:s2] =	stream.indirect.scatter.add.f32 [tilespmem:s10], [sflag:$0x1], $0x10, s21, s11, $0xb8;
	[tilespmem:$0x7000] =	vst v63  }
0x57: {  	_ =	swait.ge [sflag:s6], $0x2000  }
0x58: {  	[sflag:s6] =	ssyncset.done $0x0  }
0x59: {  	s22 =	simm.s32 $0x1800;
	[sflag:s6] =	ssyncadd.s32 $0xFFFFE000  }
0x5a: {  	[spmem:s2] =	stream.indirect.scatter.add.f32 [tilespmem:s10], [sflag:$0x1], $0x10, s22, s11, $0xb8;
	[tilespmem:$0x7000] =	vst v63  }
0x5b: {  	_ =	swait.ge [sflag:s6], $0x2000  }
0x5c: {  	[sflag:s6] =	ssyncset.done $0x0  }
0x5d: {  	s23 =	simm.s32 $0x1A00;
	[sflag:s6] =	ssyncadd.s32 $0xFFFFE000  }
0x5e: {  	[spmem:s2] =	stream.indirect.scatter.add.f32 [tilespmem:s10], [sflag:$0x1], $0x10, s23, s11, $0xb8;
	[tilespmem:$0x7000] =	vst v63  }
0x5f: {  	_ =	swait.ge [sflag:s6], $0x2000  }
0x60: {  	[sflag:s6] =	ssyncset.done $0x0  }
0x61: {  	s24 =	simm.s32 $0x1C00;
	[sflag:s6] =	ssyncadd.s32 $0xFFFFE000  }
0x62: {  	[spmem:s2] =	stream.indirect.scatter.add.f32 [tilespmem:s10], [sflag:$0x1], $0x10, s24, s11, $0xb8;
	[tilespmem:$0x7000] =	vst v63  }
0x63: {  	_ =	swait.ge [sflag:s6], $0x2000  }
0x64: {  	[sflag:s6] =	ssyncset.done $0x0  }
0x65: {  	s25 =	simm.s32 $0x1E00;
	[sflag:s6] =	ssyncadd.s32 $0xFFFFE000  }
0x66: {  	[spmem:s2] =	stream.indirect.scatter.add.f32 [tilespmem:s10], [sflag:$0x1], $0x10, s25, s11, $0xb8;
	[tilespmem:$0x7000] =	vst v63  }
0x67: {  	_ =	swait.ge [sflag:s6], $0x2000  }
0x68: {  	[sflag:s6] =	ssyncset.done $0x0  }
0x69: {  	s26 =	simm.s32 $0x2000;
	[sflag:s6] =	ssyncadd.s32 $0xFFFFE000  }
0x6a: {  	[spmem:s2] =	stream.indirect.scatter.add.f32 [tilespmem:s10], [sflag:$0x1], $0x10, s26, s11, $0xb8;
	[tilespmem:$0x7000] =	vst v63  }
0x6b: {  	_ =	swait.ge [sflag:s6], $0x2000  }
0x6c: {  	[sflag:s6] =	ssyncset.done $0x0  }
0x6d: {  	s28 =	simm.s32 $0x2200;
	[sflag:s6] =	ssyncadd.s32 $0xFFFFE000  }
0x6e: {  	[spmem:s2] =	stream.indirect.scatter.add.f32 [tilespmem:s10], [sflag:$0x1], $0x10, s28, s11, $0xb8;
	[tilespmem:$0x7000] =	vst v63  }
0x6f: {  	_ =	swait.ge [sflag:s6], $0x2000  }
0x70: {  	[sflag:s6] =	ssyncset.done $0x0  }
0x71: {  	s29 =	simm.s32 $0x2400;
	[sflag:s6] =	ssyncadd.s32 $0xFFFFE000  }
0x72: {  	[spmem:s2] =	stream.indirect.scatter.add.f32 [tilespmem:s10], [sflag:$0x1], $0x10, s29, s11, $0xb8;
	[tilespmem:$0x7000] =	vst v63  }
0x73: {  	_ =	swait.ge [sflag:s6], $0x2000  }
0x74: {  	[sflag:s6] =	ssyncset.done $0x0  }
0x75: {  	s30 =	simm.s32 $0x2600;
	s0 =	ssub.s32 $0x2, s31;
	[sflag:s6] =	ssyncadd.s32 $0xFFFFE000  }
0x76: {  	[spmem:s2] =	stream.indirect.scatter.add.f32 [tilespmem:s10], [sflag:$0x1], $0x10, s30, s11, $0xb8;
	[tilespmem:$0x7000] =	vst v63  }
0x77: {  	s1 =	sshrl.u32 s0, $0x1;
	_ =	swait.ge [sflag:s6], $0x2000  }
0x78: {  	s31 =	smul.u32 $0x5000, s31;
	s0 =	ssub.s32 s0, s1;
	[sflag:s6] =	ssyncset.done $0x0  }
0x79: {  	s0 =	smax.u32 s0, $0x1;
	s1 =	rddreg [dreg:$0x1]  }
0x7a: {  	p0 =	sne.s32 s0, $0x1;
	s1 =	sadd.s32 s1, s31;
	s31 =	rddreg [dreg:$0x8]  }
.Ltmp0:
0x7b: {  	[sflag:s6] =	ssyncadd.s32 $0xFFFFE000;
	s31 =	sshrl.u32 s31, $0x3;
	(pc) =	sbr.rel @!p0 .LBB2_2-.Ltmp0, $4  }
0x7c: {  	[bflag:$0x0] =	sbarrier.arrive $0xFFFF;
	s31 =	sadd.s32 s31, s1  }
0x7d: {  	[hbm:s31], [sflag:s5] =	dma.local [spmem:s7], $0x500  }
0x7e: {  	_ =	swait.ge [sflag:s6], $0x500  }
0x7f: {  	s1 =	sadd.s32 $0xFFFFFFFF, s0;
	[sflag:s6] =	ssyncset.done $0x0  }
.LBB2_1:
0x80: {  	[sflag:s6] =	ssyncadd.s32 $0xFFFFFB00  }
0x81: {  	[spmem:s7], [sflag:s5] =	dma.local [hbm:s4], $0x100  }
0x82: {  	_ =	swait.ge [sflag:s6], $0x100  }
0x83: {  	[sflag:s6] =	ssyncset.done $0x0  }
0x84: {  	s0 =	rddreg [dreg:$0x6];
	[sflag:s6] =	ssyncadd.s32 $0xFFFFFF00  }
0x85: {  	[spmem:s0], [sflag:s5] =	dma.local [hbm:s4], $0x100  }
0x86: {  	_ =	swait.ge [sflag:s6], $0x100  }
0x87: {  	[sflag:s6] =	ssyncset.done $0x0  }
0x88: {  	s0 =	rddreg [dreg:$0x7];
	[sflag:s6] =	ssyncadd.s32 $0xFFFFFF00  }
0x89: {  	[spmem:s0], [sflag:s5] =	dma.local [hbm:s4], $0x100  }
0x8a: {  	_ =	swait.ge [sflag:s6], $0x100  }
0x8b: {  	[sflag:s6] =	ssyncset.done $0x0  }
0x8c: {  	[sflag:s6] =	ssyncadd.s32 $0xFFFFFF00  }
0x8d: {  	[spmem:s8], [sflag:s5] =	dma.local [hbm:s4], $0x100  }
0x8e: {  	_ =	swait.ge [sflag:s6], $0x100  }
0x8f: {  	[sflag:s6] =	ssyncset.done $0x0  }
0x90: {  	[sflag:s6] =	ssyncadd.s32 $0xFFFFFF00  }
0x91: {  	[spmem:s9], [sflag:s5] =	dma.local [hbm:s4], $0x100  }
0x92: {  	_ =	swait.ge [sflag:s6], $0x100  }
0x93: {  	[sflag:s6] =	ssyncset.done $0x0  }
0x94: {  	s0 =	rddreg [dreg:$0x5];
	[sflag:s6] =	ssyncadd.s32 $0xFFFFFF00  }
0x95: {  	[tilespmem:s3], [sflag:$0x1] =	stream.linear.gather [hbm4b:s0+s3], $0x2800, $0x38;
	[tilespmem:$0x7000] =	vst v63  }
0x96: {  	_ =	swait.ge [sflag:s6], $0x2800  }
0x97: {  	[sflag:s6] =	ssyncset.done $0x0  }
0x98: {  	s0 =	rddreg [dreg:$0x4];
	[sflag:s6] =	ssyncadd.s32 $0xFFFFD800  }
0x99: {  	[tilespmem:s10], [sflag:$0x1] =	stream.linear.gather [hbm4b:s0+s3], $0x2000, $0x38;
	[tilespmem:$0x7000] =	vst v63  }
0x9a: {  	_ =	swait.ge [sflag:s6], $0x2000  }
0x9b: {  	[sflag:s6] =	ssyncset.done $0x0  }
0x9c: {  	[sflag:s6] =	ssyncadd.s32 $0xFFFFE000  }
0x9d: {  	[bflag:$0x0] =	sbarrier.arrive $0xFFFF  }
0x9e: {  	[spmem:s2] =	stream.indirect.scatter.add.f32 [tilespmem:s10], [sflag:$0x1], $0x10, s3, s11, $0xb8;
	[tilespmem:$0x7000] =	vst v63  }
0x9f: {  	_ =	swait.ge [sflag:s6], $0x2000  }
0xa0: {  	[sflag:s6] =	ssyncset.done $0x0  }
0xa1: {  	[sflag:s6] =	ssyncadd.s32 $0xFFFFE000  }
0xa2: {  	[spmem:s2] =	stream.indirect.scatter.add.f32 [tilespmem:s10], [sflag:$0x1], $0x10, s11, s11, $0xb8;
	[tilespmem:$0x7000] =	vst v63  }
0xa3: {  	_ =	swait.ge [sflag:s6], $0x2000  }
0xa4: {  	[sflag:s6] =	ssyncset.done $0x0  }
0xa5: {  	[sflag:s6] =	ssyncadd.s32 $0xFFFFE000  }
0xa6: {  	[spmem:s2] =	stream.indirect.scatter.add.f32 [tilespmem:s10], [sflag:$0x1], $0x10, s12, s11, $0xb8;
	[tilespmem:$0x7000] =	vst v63  }
0xa7: {  	_ =	swait.ge [sflag:s6], $0x2000  }
0xa8: {  	[sflag:s6] =	ssyncset.done $0x0  }
0xa9: {  	[sflag:s6] =	ssyncadd.s32 $0xFFFFE000  }
0xaa: {  	[spmem:s2] =	stream.indirect.scatter.add.f32 [tilespmem:s10], [sflag:$0x1], $0x10, s13, s11, $0xb8;
	[tilespmem:$0x7000] =	vst v63  }
0xab: {  	_ =	swait.ge [sflag:s6], $0x2000  }
0xac: {  	[sflag:s6] =	ssyncset.done $0x0  }
0xad: {  	[sflag:s6] =	ssyncadd.s32 $0xFFFFE000  }
0xae: {  	[spmem:s2] =	stream.indirect.scatter.add.f32 [tilespmem:s10], [sflag:$0x1], $0x10, s14, s11, $0xb8;
	[tilespmem:$0x7000] =	vst v63  }
0xaf: {  	_ =	swait.ge [sflag:s6], $0x2000  }
0xb0: {  	[sflag:s6] =	ssyncset.done $0x0  }
0xb1: {  	[sflag:s6] =	ssyncadd.s32 $0xFFFFE000  }
0xb2: {  	[spmem:s2] =	stream.indirect.scatter.add.f32 [tilespmem:s10], [sflag:$0x1], $0x10, s15, s11, $0xb8;
	[tilespmem:$0x7000] =	vst v63  }
0xb3: {  	_ =	swait.ge [sflag:s6], $0x2000  }
0xb4: {  	[sflag:s6] =	ssyncset.done $0x0  }
0xb5: {  	[sflag:s6] =	ssyncadd.s32 $0xFFFFE000  }
0xb6: {  	[spmem:s2] =	stream.indirect.scatter.add.f32 [tilespmem:s10], [sflag:$0x1], $0x10, s16, s11, $0xb8;
	[tilespmem:$0x7000] =	vst v63  }
0xb7: {  	_ =	swait.ge [sflag:s6], $0x2000  }
0xb8: {  	[sflag:s6] =	ssyncset.done $0x0  }
0xb9: {  	[sflag:s6] =	ssyncadd.s32 $0xFFFFE000  }
0xba: {  	[spmem:s2] =	stream.indirect.scatter.add.f32 [tilespmem:s10], [sflag:$0x1], $0x10, s17, s11, $0xb8;
	[tilespmem:$0x7000] =	vst v63  }
0xbb: {  	_ =	swait.ge [sflag:s6], $0x2000  }
0xbc: {  	[sflag:s6] =	ssyncset.done $0x0  }
0xbd: {  	[sflag:s6] =	ssyncadd.s32 $0xFFFFE000  }
0xbe: {  	[spmem:s2] =	stream.indirect.scatter.add.f32 [tilespmem:s10], [sflag:$0x1], $0x10, s18, s11, $0xb8;
	[tilespmem:$0x7000] =	vst v63  }
0xbf: {  	_ =	swait.ge [sflag:s6], $0x2000  }
0xc0: {  	[sflag:s6] =	ssyncset.done $0x0  }
0xc1: {  	[sflag:s6] =	ssyncadd.s32 $0xFFFFE000  }
0xc2: {  	[spmem:s2] =	stream.indirect.scatter.add.f32 [tilespmem:s10], [sflag:$0x1], $0x10, s19, s11, $0xb8;
	[tilespmem:$0x7000] =	vst v63  }
0xc3: {  	_ =	swait.ge [sflag:s6], $0x2000  }
0xc4: {  	[sflag:s6] =	ssyncset.done $0x0  }
0xc5: {  	[sflag:s6] =	ssyncadd.s32 $0xFFFFE000  }
0xc6: {  	[spmem:s2] =	stream.indirect.scatter.add.f32 [tilespmem:s10], [sflag:$0x1], $0x10, s20, s11, $0xb8;
	[tilespmem:$0x7000] =	vst v63  }
0xc7: {  	_ =	swait.ge [sflag:s6], $0x2000  }
0xc8: {  	[sflag:s6] =	ssyncset.done $0x0  }
0xc9: {  	[sflag:s6] =	ssyncadd.s32 $0xFFFFE000  }
0xca: {  	[spmem:s2] =	stream.indirect.scatter.add.f32 [tilespmem:s10], [sflag:$0x1], $0x10, s21, s11, $0xb8;
	[tilespmem:$0x7000] =	vst v63  }
0xcb: {  	_ =	swait.ge [sflag:s6], $0x2000  }
0xcc: {  	[sflag:s6] =	ssyncset.done $0x0  }
0xcd: {  	[sflag:s6] =	ssyncadd.s32 $0xFFFFE000  }
0xce: {  	[spmem:s2] =	stream.indirect.scatter.add.f32 [tilespmem:s10], [sflag:$0x1], $0x10, s22, s11, $0xb8;
	[tilespmem:$0x7000] =	vst v63  }
0xcf: {  	_ =	swait.ge [sflag:s6], $0x2000  }
0xd0: {  	[sflag:s6] =	ssyncset.done $0x0  }
0xd1: {  	[sflag:s6] =	ssyncadd.s32 $0xFFFFE000  }
0xd2: {  	[spmem:s2] =	stream.indirect.scatter.add.f32 [tilespmem:s10], [sflag:$0x1], $0x10, s23, s11, $0xb8;
	[tilespmem:$0x7000] =	vst v63  }
0xd3: {  	_ =	swait.ge [sflag:s6], $0x2000  }
0xd4: {  	[sflag:s6] =	ssyncset.done $0x0  }
0xd5: {  	[sflag:s6] =	ssyncadd.s32 $0xFFFFE000  }
0xd6: {  	[spmem:s2] =	stream.indirect.scatter.add.f32 [tilespmem:s10], [sflag:$0x1], $0x10, s24, s11, $0xb8;
	[tilespmem:$0x7000] =	vst v63  }
0xd7: {  	_ =	swait.ge [sflag:s6], $0x2000  }
0xd8: {  	[sflag:s6] =	ssyncset.done $0x0  }
0xd9: {  	[sflag:s6] =	ssyncadd.s32 $0xFFFFE000  }
0xda: {  	[spmem:s2] =	stream.indirect.scatter.add.f32 [tilespmem:s10], [sflag:$0x1], $0x10, s25, s11, $0xb8;
	[tilespmem:$0x7000] =	vst v63  }
0xdb: {  	_ =	swait.ge [sflag:s6], $0x2000  }
0xdc: {  	[sflag:s6] =	ssyncset.done $0x0  }
0xdd: {  	[sflag:s6] =	ssyncadd.s32 $0xFFFFE000  }
0xde: {  	[spmem:s2] =	stream.indirect.scatter.add.f32 [tilespmem:s10], [sflag:$0x1], $0x10, s26, s11, $0xb8;
	[tilespmem:$0x7000] =	vst v63  }
0xdf: {  	_ =	swait.ge [sflag:s6], $0x2000  }
0xe0: {  	[sflag:s6] =	ssyncset.done $0x0  }
0xe1: {  	[sflag:s6] =	ssyncadd.s32 $0xFFFFE000  }
0xe2: {  	[spmem:s2] =	stream.indirect.scatter.add.f32 [tilespmem:s10], [sflag:$0x1], $0x10, s28, s11, $0xb8;
	[tilespmem:$0x7000] =	vst v63  }
0xe3: {  	_ =	swait.ge [sflag:s6], $0x2000  }
0xe4: {  	[sflag:s6] =	ssyncset.done $0x0  }
0xe5: {  	[sflag:s6] =	ssyncadd.s32 $0xFFFFE000  }
0xe6: {  	[spmem:s2] =	stream.indirect.scatter.add.f32 [tilespmem:s10], [sflag:$0x1], $0x10, s29, s11, $0xb8;
	[tilespmem:$0x7000] =	vst v63  }
0xe7: {  	_ =	swait.ge [sflag:s6], $0x2000  }
0xe8: {  	[sflag:s6] =	ssyncset.done $0x0  }
0xe9: {  	[sflag:s6] =	ssyncadd.s32 $0xFFFFE000  }
0xea: {  	[spmem:s2] =	stream.indirect.scatter.add.f32 [tilespmem:s10], [sflag:$0x1], $0x10, s30, s11, $0xb8;
	[tilespmem:$0x7000] =	vst v63  }
0xeb: {  	_ =	swait.ge [sflag:s6], $0x2000  }
0xec: {  	p0 =	sne.s32 s1, $0x1;
	[sflag:s6] =	ssyncset.done $0x0  }
.Ltmp1:
0xed: {  	[sflag:s6] =	ssyncadd.s32 $0xFFFFE000;
	(pc) =	sbr.rel @p0 .LBB2_1-.Ltmp1, $4  }
0xee: {  	[bflag:$0x0] =	sbarrier.arrive $0xFFFF  }
0xef: {  	[hbm:s31], [sflag:s5] =	dma.local [spmem:s7], $0x500  }
0xf0: {  	_ =	swait.ge [sflag:s6], $0x500  }
0xf1: {  	s1 =	sadd.s32 $0xFFFFFFFF, s1;
	[sflag:s6] =	ssyncset.done $0x0  }
.LBB2_2:
0xf2: {  	[sflag:s6] =	ssyncadd.s32 $0xFFFFFB00  }
0xf3: {  	_ =	sfence.sel $0x180000  }
0xf4: {  	[bflag:$0x0] =	sbarrier.arrive $0xFFFF  }
0xf5: {  	_ =	strace $0x90000047  }
0xf6: {  	s0 =	stileid.u32;
	[bflag:$0x2] =	sbarrier.arrive $0xFFFF  }
0xf7: {  	p0 =	sne.s32 s0, $0x0;
	s0 =	rddreg [dreg:$0x3]  }
0xf8: {  	s0 =	sadd.s32 @!p0 $0x100000, s0  }
0xf9: {  	[sflag:s0] =	ssyncadd.tile.s32 @!p0 $0x1;
	_ =	shalt  }
.Lfunc_end2:
_tile_overlayer_lowered:
.L_overlay_start_2:
0xfa: {  	(tag) =	ssettag $0x2  }
0xfb: {  	s0 =	rddreg [dreg:$0x0];
	s2 =	stileid.u32  }
0xfc: {  	s1 =	rddreg [dreg:$0x1];
	p0 =	sne.s32 s2, $0x0  }
0xfd: {  	s3 =	rddreg [dreg:$0x2];
	[bflag:$0x3] =	sbarrier.arrive $0xFFFF;
	s2 =	simm.s32 @!p0 $0x1C01  }
0xfe: {  	[timem:s3], [sflag:s2] =	dma.local @!p0 [hbm:s0], s1  }
0xff: {  	s0 =	simm.s32 @!p0 $0x1  }
0x100: {  	_ =	swait.ge @!p0 [sflag:s0], s1  }
0x101: {  	s1 =	ssub.s32 @!p0 $0x0, s1;
	[sflag:s0] =	ssyncset.done @!p0 $0x0  }
0x102: {  	[sflag:s0] =	ssyncadd.s32 @!p0 s1  }
0x103: {  	[bflag:$0x3] =	sbarrier.arrive $0xFFFF  }
0x104: {  	_ =	shalt  }

</sc_bundles>
